<compile_context>
chip_gen: v7x
topology: tpu7x:2x2x1
jax: 0.10.2.dev20260603
libtpu: 0.0.44.dev20260713+nightly
codegen_flags: <defaults>
</compile_context>

<pallas_src>
import functools

import jax
import jax.numpy as jnp
import numpy as np
from jax import lax
from jax.experimental import pallas as pl
from jax.experimental.pallas import tpu as pltpu

try:
    from jax.experimental.pallas import tpu_sc as plsc
    _HAS_SC = True
except ImportError:
    plsc = None
    _HAS_SC = False

IMG = 512
STRIDE = 16
FS = 32
A = 9
NPOS = FS * FS
NANCH = NPOS * A
PRE_NMS = 1000
POST_NMS = 300
NMS_THR = 0.7
POOL = 7
NUM_CLASSES = 21
CF = 256
NTOP = 1024
NPOST = 304
ROI_B = 16384


def _anchor_comps():
    scales = [64.0, 128.0, 256.0]
    ratios = [0.5, 1.0, 2.0]
    base = []
    for s in scales:
        for r in ratios:
            w = s * np.sqrt(r)
            h = s / np.sqrt(r)
            base.append([-w / 2.0, -h / 2.0, w / 2.0, h / 2.0])
    base = np.asarray(base, np.float32)
    c = (np.arange(FS, dtype=np.float32) + 0.5) * STRIDE
    cx, cy = np.meshgrid(c, c)
    shifts = np.stack([cx, cy, cx, cy], axis=-1).reshape(-1, 1, 4)
    anch = (shifts + base[None]).reshape(-1, 4)
    wa = (anch[:, 2] - anch[:, 0]).reshape(NPOS, A)
    ha = (anch[:, 3] - anch[:, 1]).reshape(NPOS, A)
    xa = (anch[:, 0].reshape(NPOS, A) + 0.5 * wa)
    ya = (anch[:, 1].reshape(NPOS, A) + 0.5 * ha)
    return (jnp.asarray(wa), jnp.asarray(ha), jnp.asarray(xa), jnp.asarray(ya))



def _kb1_body(s_ref, ts_ref, ti_ref):
    s0 = s_ref[:]
    flat_iota = (lax.broadcasted_iota(jnp.int32, (8, 1152), 0) * 1152
                 + lax.broadcasted_iota(jnp.int32, (8, 1152), 1))
    rank_iota = (lax.broadcasted_iota(jnp.int32, (8, 128), 0) * 128
                 + lax.broadcasted_iota(jnp.int32, (8, 128), 1))

    def body(t, carry):
        s, ts, ti = carry
        m = jnp.max(s)
        qi = jnp.min(jnp.where(s == m, flat_iota, jnp.int32(1 << 30)))
        sel = rank_iota == t
        ts = jnp.where(sel, m, ts)
        ti = jnp.where(sel, qi, ti)
        s = jnp.where(flat_iota == qi, -2e9, s)
        return s, ts, ti

    _, ts, ti = lax.fori_loop(
        0, PRE_NMS, body,
        (s0, jnp.full((8, 128), -2e9, jnp.float32),
         jnp.zeros((8, 128), jnp.int32)))
    ts_ref[:] = ts
    ti_ref[:] = ti


def _run_b1(s, interpret=False):
    return pl.pallas_call(
        _kb1_body,
        out_shape=(jax.ShapeDtypeStruct((8, 128), jnp.float32),
                   jax.ShapeDtypeStruct((8, 128), jnp.int32)),
        interpret=interpret,
    )(s)



def _kb2_body(ti_ref, x1_ref, y1_ref, x2_ref, y2_ref,
              ox1_ref, oy1_ref, ox2_ref, oy2_ref):
    ti = ti_ref[:]
    r = ti // 1152
    l = ti - r * 1152
    lane_mask = (lax.broadcasted_iota(jnp.int32, (NTOP, 1152), 1)
                 == l).astype(jnp.float32)
    for src, dst in ((x1_ref, ox1_ref), (y1_ref, oy1_ref),
                     (x2_ref, ox2_ref), (y2_ref, oy2_ref)):
        s = src[:]
        g = jnp.zeros((NTOP, 1152), jnp.float32)
        for rr in range(8):
            g = jnp.where(r == rr, s[rr:rr + 1, :], g)
        dst[:] = jnp.sum(g * lane_mask, axis=1, keepdims=True)


def _run_b2(ti_col, x1, y1, x2, y2, interpret=False):
    shc = jax.ShapeDtypeStruct((NTOP, 1), jnp.float32)
    return pl.pallas_call(
        _kb2_body,
        out_shape=(shc, shc, shc, shc),
        interpret=interpret,
    )(ti_col, x1, y1, x2, y2)



def _kb3_body(x1c_ref, y1c_ref, x2c_ref, y2c_ref,
              x1r_ref, y1r_ref, x2r_ref, y2r_ref, tsr_ref,
              pi_ref, m_scr):
    x1c, y1c, x2c, y2c = x1c_ref[:], y1c_ref[:], x2c_ref[:], y2c_ref[:]
    x1r, y1r, x2r, y2r = x1r_ref[:], y1r_ref[:], x2r_ref[:], y2r_ref[:]
    area_c = (x2c - x1c) * (y2c - y1c)
    area_r = (x2r - x1r) * (y2r - y1r)
    ltx = jnp.maximum(x1c, x1r)
    lty = jnp.maximum(y1c, y1r)
    rbx = jnp.minimum(x2c, x2r)
    rby = jnp.minimum(y2c, y2r)
    wx = jnp.maximum(rbx - ltx, 0.0)
    wy = jnp.maximum(rby - lty, 0.0)
    inter = wx * wy
    iou = inter / (area_c + area_r - inter + 1e-6)
    row_i = lax.broadcasted_iota(jnp.int32, (NTOP, NTOP), 0)
    col_i = lax.broadcasted_iota(jnp.int32, (NTOP, NTOP), 1)
    m_scr[:] = ((iou > NMS_THR) & (col_i > row_i)).astype(jnp.float32)

    lane_i = lax.broadcasted_iota(jnp.int32, (1, NTOP), 1)
    keep0 = (lane_i < PRE_NMS).astype(jnp.float32)

    def outer(g, keep):
        block = m_scr[pl.ds(g * 8, 8), :]
        for k in range(8):
            i = g * 8 + k
            row = block[k:k + 1, :]
            keep_i = jnp.sum(jnp.where(lane_i == i, keep, 0.0))
            supp = row * keep * keep_i
            keep = keep * (1.0 - supp)
        return keep

    keep = lax.fori_loop(0, NTOP // 8, outer, keep0)

    ks = jnp.where((keep > 0.0) & (lane_i < PRE_NMS), tsr_ref[:], -1e9)
    rank_iota = (lax.broadcasted_iota(jnp.int32, (8, 128), 0) * 128
                 + lax.broadcasted_iota(jnp.int32, (8, 128), 1))

    def post(t, carry):
        ks_c, pi = carry
        m = jnp.max(ks_c)
        qi = jnp.min(jnp.where(ks_c == m, lane_i, jnp.int32(1 << 30)))
        pi = jnp.where(rank_iota == t, qi, pi)
        ks_c = jnp.where(lane_i == qi, -2e9, ks_c)
        return ks_c, pi

    _, pi = lax.fori_loop(0, POST_NMS, post,
                          (ks, jnp.zeros((8, 128), jnp.int32)))
    pi_ref[:] = pi


def _run_b3(x1c, y1c, x2c, y2c, x1r, y1r, x2r, y2r, tsr, interpret=False):
    return pl.pallas_call(
        _kb3_body,
        out_shape=jax.ShapeDtypeStruct((8, 128), jnp.int32),
        scratch_shapes=[pltpu.VMEM((NTOP, NTOP), jnp.float32)],
        interpret=interpret,
    )(x1c, y1c, x2c, y2c, x1r, y1r, x2r, y2r, tsr)



def _kb4_body(pi_ref, x1r_ref, y1r_ref, x2r_ref, y2r_ref, roi_ref):
    pi = pi_ref[:]
    onehot = (lax.broadcasted_iota(jnp.int32, (NPOST, NTOP), 1)
              == pi).astype(jnp.float32)
    px1 = jnp.sum(onehot * x1r_ref[:], axis=1, keepdims=True)
    py1 = jnp.sum(onehot * y1r_ref[:], axis=1, keepdims=True)
    px2 = jnp.sum(onehot * x2r_ref[:], axis=1, keepdims=True)
    py2 = jnp.sum(onehot * y2r_ref[:], axis=1, keepdims=True)
    q = lax.broadcasted_iota(jnp.int32, (1, POOL * POOL), 1)
    ci = (q // POOL).astype(jnp.float32)
    cj = (q - (q // POOL) * POOL).astype(jnp.float32)
    gy = py1 + (ci + 0.5) * (py2 - py1) / float(POOL)
    gx = px1 + (cj + 0.5) * (px2 - px1) / float(POOL)
    iy = jnp.clip((gy / float(STRIDE)).astype(jnp.int32), 0, FS - 1)
    ix = jnp.clip((gx / float(STRIDE)).astype(jnp.int32), 0, FS - 1)
    roi_ref[:] = iy * FS + ix


def _run_b4(pi_col, x1r, y1r, x2r, y2r, interpret=False):
    return pl.pallas_call(
        _kb4_body,
        out_shape=jax.ShapeDtypeStruct((NPOST, POOL * POOL), jnp.int32),
        interpret=interpret,
    )(pi_col, x1r, y1r, x2r, y2r)



def _make_sc_gather():
    info = plsc.get_sparse_core_info()
    nc, ns = info.num_cores, info.num_subcores
    nw = nc * ns
    b_per_w = ROI_B // nw
    ch = 128
    nch = b_per_w // ch
    mesh = plsc.VectorSubcoreMesh(core_axis_name="c", subcore_axis_name="s")

    @functools.partial(
        pl.kernel, mesh=mesh,
        out_type=jax.ShapeDtypeStruct((ROI_B, CF), jnp.float32),
        scratch_types=[
            pltpu.VMEM((ch,), jnp.int32),
            pltpu.VMEM((ch, CF), jnp.float32),
            pltpu.SemaphoreType.DMA,
        ],
    )
    def roi_gather(table_hbm, idx_hbm, out_hbm, idx_v, rows_v, sem):
        wid = lax.axis_index("s") * nc + lax.axis_index("c")
        for t in range(nch):
            base = wid * b_per_w + t * ch
            pltpu.sync_copy(idx_hbm.at[pl.ds(base, ch)], idx_v)
            pltpu.async_copy(table_hbm.at[idx_v], rows_v, sem).wait()
            pltpu.sync_copy(rows_v, out_hbm.at[pl.ds(base, ch)])

    return roi_gather



def _kd_body(p_ref, w_ref, b_ref, o_ref):
    k = pl.program_id(0)

    @pl.when(k == 0)
    def _init():
        o_ref[:] = jnp.zeros_like(o_ref)

    o_ref[:] += jnp.dot(p_ref[:], w_ref[:], preferred_element_type=jnp.float32)

    @pl.when(k == pl.num_programs(0) - 1)
    def _fin():
        o_ref[:] = jnp.maximum(o_ref[:] + b_ref[:], 0.0)


def _run_d(pooled, wfc, bfc, interpret=False):
    ksplit = 7
    kblk = pooled.shape[1] // ksplit
    return pl.pallas_call(
        _kd_body,
        grid=(ksplit,),
        in_specs=[
            pl.BlockSpec((NPOST, kblk), lambda k: (0, k)),
            pl.BlockSpec((kblk, 1024), lambda k: (k, 0)),
            pl.BlockSpec((1, 1024), lambda k: (0, 0)),
        ],
        out_specs=pl.BlockSpec((NPOST, 1024), lambda k: (0, 0)),
        out_shape=jax.ShapeDtypeStruct((NPOST, 1024), jnp.float32),
        interpret=interpret,
    )(pooled, wfc, bfc)



def _ke_body(h_ref, wc_ref, bc_ref, wr_ref, br_ref, c_ref, r_ref):
    h = h_ref[:]
    c_ref[:] = jnp.dot(h, wc_ref[:], preferred_element_type=jnp.float32) + bc_ref[:]
    r_ref[:] = jnp.dot(h, wr_ref[:], preferred_element_type=jnp.float32) + br_ref[:]


def _run_e(h2, whc, bhc, whr, bhr, interpret=False):
    return pl.pallas_call(
        _ke_body,
        out_shape=(jax.ShapeDtypeStruct((NPOST, NUM_CLASSES), jnp.float32),
                   jax.ShapeDtypeStruct((NPOST, 4 * NUM_CLASSES), jnp.float32)),
        interpret=interpret,
    )(h2, whc, bhc, whr, bhr)



def _pipeline(x, W_bb, b_bb, W_rpn, b_rpn, W_cls, b_cls, W_reg, b_reg,
              W_fc, b_fc, W_hc, b_hc, W_hr, b_hr,
              interpret=False, roi_gather_fn=None):
    def _conv2d(v, w, b, stride, padding):
        y = lax.conv_general_dilated(v, w, (stride, stride), padding,
                                     dimension_numbers=('NCHW', 'OIHW', 'NCHW'))
        return y + b[None, :, None, None]

    wa, ha, xa, ya = _anchor_comps()
    feat4 = jax.nn.relu(_conv2d(x, W_bb, b_bb, STRIDE, 'VALID'))
    hmap = jax.nn.relu(_conv2d(feat4, W_rpn, b_rpn, 1, 'SAME'))
    cls_rpn = _conv2d(hmap, W_cls, b_cls, 1, 'SAME')
    reg_rpn = _conv2d(hmap, W_reg, b_reg, 1, 'SAME')
    scores = jax.nn.sigmoid(jnp.transpose(cls_rpn[0], (1, 2, 0)).reshape(NPOS, A))
    deltas = jnp.transpose(reg_rpn[0].reshape(A, 4, FS, FS), (2, 3, 0, 1))
    dx, dy = deltas[..., 0], deltas[..., 1]
    dw = jnp.clip(deltas[..., 2], -4.0, 4.0)
    dh = jnp.clip(deltas[..., 3], -4.0, 4.0)
    dx = dx.reshape(NPOS, A)
    dy = dy.reshape(NPOS, A)
    dw = dw.reshape(NPOS, A)
    dh = dh.reshape(NPOS, A)
    xc = xa + dx * wa
    yc = ya + dy * ha
    w_ = wa * jnp.exp(dw)
    h_ = ha * jnp.exp(dh)
    bx1 = jnp.clip(xc - 0.5 * w_, 0.0, float(IMG))
    by1 = jnp.clip(yc - 0.5 * h_, 0.0, float(IMG))
    bx2 = jnp.clip(xc + 0.5 * w_, 0.0, float(IMG))
    by2 = jnp.clip(yc + 0.5 * h_, 0.0, float(IMG))
    feat = feat4[0].transpose(1, 2, 0).reshape(NPOS, CF)

    s8 = scores.reshape(8, 1152)
    ts, ti = _run_b1(s8, interpret=interpret)

    ti_col = ti.reshape(NTOP, 1)
    tx1, ty1, tx2, ty2 = _run_b2(
        ti_col, bx1.reshape(8, 1152), by1.reshape(8, 1152),
        bx2.reshape(8, 1152), by2.reshape(8, 1152), interpret=interpret)

    x1r, y1r = tx1.reshape(1, NTOP), ty1.reshape(1, NTOP)
    x2r, y2r = tx2.reshape(1, NTOP), ty2.reshape(1, NTOP)
    pi = _run_b3(tx1, ty1, tx2, ty2, x1r, y1r, x2r, y2r,
                 ts.reshape(1, NTOP), interpret=interpret)

    pi_col = pi.reshape(NTOP, 1)[:NPOST]
    roi = _run_b4(pi_col, x1r, y1r, x2r, y2r, interpret=interpret)

    roi_flat = roi[:POST_NMS].reshape(POST_NMS * POOL * POOL)
    roi_idx = jnp.concatenate(
        [roi_flat, jnp.zeros((ROI_B - POST_NMS * POOL * POOL,), jnp.int32)])

    if roi_gather_fn is None:
        roi_gather_fn = _make_sc_gather()
    rows = roi_gather_fn(feat, roi_idx)

    pooled = rows[:POST_NMS * POOL * POOL].reshape(POST_NMS, POOL * POOL * CF)
    pooled = jnp.concatenate(
        [pooled, jnp.zeros((NPOST - POST_NMS, POOL * POOL * CF), jnp.float32)])

    wfc = W_fc.reshape(CF, POOL, POOL, 1024).transpose(1, 2, 0, 3)
    wfc = wfc.reshape(CF * POOL * POOL, 1024)
    h2 = _run_d(pooled, wfc, b_fc.reshape(1, 1024), interpret=interpret)

    cls, reg = _run_e(h2, W_hc, b_hc.reshape(1, NUM_CLASSES),
                      W_hr, b_hr.reshape(1, 4 * NUM_CLASSES),
                      interpret=interpret)
    return cls[:POST_NMS], reg[:POST_NMS]


def kernel(x, W_bb, b_bb, W_rpn, b_rpn, W_cls, b_cls, W_reg, b_reg,
           W_fc, b_fc, W_hc, b_hc, W_hr, b_hr):
    return _pipeline(x, W_bb, b_bb, W_rpn, b_rpn, W_cls, b_cls, W_reg, b_reg,
                     W_fc, b_fc, W_hc, b_hc, W_hr, b_hr)

# --- scband reference (transcript-rebuilt; emitter-appended) ---
"""Pipeline reference for scband-faster-rcnn-79396765433904 (READ-ONLY COPY).

The authoritative reference and input builder live on the scoring server;
editing this copy changes nothing except your own understanding.
"""

import jax, jax.numpy as jnp
import numpy as np

IMG = 512
STRIDE = 16
FS = 32
A = 9
PRE_NMS = 1000
POST_NMS = 300
NMS_THR = 0.7
POOL = 7
NUM_CLASSES = 21
CF = 256

def _make_anchors():
    scales = [64.0, 128.0, 256.0]
    ratios = [0.5, 1.0, 2.0]
    base = []
    for s in scales:
        for r in ratios:
            w = s * np.sqrt(r)
            h = s / np.sqrt(r)
            base.append([-w / 2.0, -h / 2.0, w / 2.0, h / 2.0])
    base = np.asarray(base, np.float32)
    c = (np.arange(FS, dtype=np.float32) + 0.5) * STRIDE
    cx, cy = np.meshgrid(c, c)
    shifts = np.stack([cx, cy, cx, cy], axis=-1).reshape(-1, 1, 4)
    return jnp.asarray((shifts + base[None]).reshape(-1, 4))

def _decode(anchors, deltas):
    wa = anchors[:, 2] - anchors[:, 0]
    ha = anchors[:, 3] - anchors[:, 1]
    xa = anchors[:, 0] + 0.5 * wa
    ya = anchors[:, 1] + 0.5 * ha
    dx = deltas[:, 0]
    dy = deltas[:, 1]
    dw = jnp.clip(deltas[:, 2], -4.0, 4.0)
    dh = jnp.clip(deltas[:, 3], -4.0, 4.0)
    xc = xa + dx * wa
    yc = ya + dy * ha
    w = wa * jnp.exp(dw)
    h = ha * jnp.exp(dh)
    boxes = jnp.stack([xc - 0.5 * w, yc - 0.5 * h, xc + 0.5 * w, yc + 0.5 * h], axis=1)
    return jnp.clip(boxes, 0.0, float(IMG))

def _iou(b):
    area = (b[:, 2] - b[:, 0]) * (b[:, 3] - b[:, 1])
    lt = jnp.maximum(b[:, None, :2], b[None, :, :2])
    rb = jnp.minimum(b[:, None, 2:], b[None, :, 2:])
    wh = jnp.maximum(rb - lt, 0.0)
    inter = wh[..., 0] * wh[..., 1]
    return inter / (area[:, None] + area[None, :] - inter + 1e-6)

def _conv(x, W, b, stride, padding):
    y = jax.lax.conv_general_dilated(x, W, (stride, stride), padding, dimension_numbers=('NCHW', 'OIHW', 'NCHW'))
    return y + b[None, :, None, None]

def setup_inputs(seed: int = 0):
    key = jax.random.key(seed)
    ks = jax.random.split(key, 9)
    def p(k, shape, s=0.02):
        return jax.random.normal(k, shape, jnp.float32) * s
    inp = {}
    inp['x'] = jax.random.normal(ks[0], (1, 3, IMG, IMG), jnp.float32)
    inp['W_bb'] = p(ks[1], (CF, 3, 16, 16))
    inp['b_bb'] = jnp.zeros((CF,), jnp.float32)
    inp['W_rpn'] = p(ks[2], (CF, CF, 3, 3))
    inp['b_rpn'] = jnp.zeros((CF,), jnp.float32)
    inp['W_cls'] = p(ks[3], (A, CF, 1, 1))
    inp['b_cls'] = jnp.zeros((A,), jnp.float32)
    inp['W_reg'] = p(ks[4], (4 * A, CF, 1, 1))
    inp['b_reg'] = jnp.zeros((4 * A,), jnp.float32)
    inp['W_fc'] = p(ks[5], (CF * POOL * POOL, 1024))
    inp['b_fc'] = jnp.zeros((1024,), jnp.float32)
    inp['W_hc'] = p(ks[6], (1024, NUM_CLASSES))
    inp['b_hc'] = jnp.zeros((NUM_CLASSES,), jnp.float32)
    inp['W_hr'] = p(ks[7], (1024, 4 * NUM_CLASSES))
    inp['b_hr'] = jnp.zeros((4 * NUM_CLASSES,), jnp.float32)
    return inp

def reference(x, W_bb, b_bb, W_rpn, b_rpn, W_cls, b_cls, W_reg, b_reg, W_fc, b_fc, W_hc, b_hc, W_hr, b_hr):
    anchors = _make_anchors()
    feat = jax.nn.relu(_conv(x, W_bb, b_bb, STRIDE, 'VALID'))
    h = jax.nn.relu(_conv(feat, W_rpn, b_rpn, 1, 'SAME'))
    cls_rpn = _conv(h, W_cls, b_cls, 1, 'SAME')
    reg_rpn = _conv(h, W_reg, b_reg, 1, 'SAME')
    scores = jax.nn.sigmoid(jnp.transpose(cls_rpn[0], (1, 2, 0)).reshape(-1))
    deltas = jnp.transpose(reg_rpn[0].reshape(A, 4, FS, FS), (2, 3, 0, 1)).reshape(-1, 4)
    boxes = _decode(anchors, deltas)
    top_s, top_i = jax.lax.top_k(scores, PRE_NMS)
    top_b = boxes[top_i]
    iou = jax.lax.stop_gradient(_iou(top_b))
    rng = jnp.arange(PRE_NMS)
    def body(keep, i):
        supp = (iou[i] > NMS_THR) & keep[i] & (rng > i)
        return keep & (~supp), None
    keep, _ = jax.lax.scan(body, jnp.ones((PRE_NMS,), dtype=bool), jnp.arange(PRE_NMS))
    kept_s = jnp.where(keep, jax.lax.stop_gradient(top_s), -1e9)
    _, post_i = jax.lax.top_k(kept_s, POST_NMS)
    props = top_b[post_i]
    feat0 = feat[0]
    def roi_pool(box):
        x1, y1, x2, y2 = box[0], box[1], box[2], box[3]
        gx = x1 + (jnp.arange(POOL, dtype=jnp.float32) + 0.5) * (x2 - x1) / POOL
        gy = y1 + (jnp.arange(POOL, dtype=jnp.float32) + 0.5) * (y2 - y1) / POOL
        ix = jnp.clip((gx / STRIDE).astype(jnp.int32), 0, FS - 1)
        iy = jnp.clip((gy / STRIDE).astype(jnp.int32), 0, FS - 1)
        return feat0[:, iy[:, None], ix[None, :]]
    pooled = jax.vmap(roi_pool)(props)
    flat = pooled.reshape(POST_NMS, -1)
    h2 = jax.nn.relu(flat @ W_fc + b_fc)
    cls = h2 @ W_hc + b_hc
    reg = h2 @ W_hr + b_hr
    return (cls, reg)

if __name__ == "__main__":
    import jax
    _d = setup_inputs()
    print(jax.jit(kernel)(*tuple(_d.values())))

</pallas_src>

<mosaic_0001>
#map = affine_map<(d0, d1) -> (0, 0)>
#map1 = affine_map<(d0, d1) -> (0)>
module attributes {stable_mosaic.version = 14 : i64} {
  func.func @roi_gather(%arg0: i32, %arg1: i32, %arg2: memref<1024x256xf32, #tpu.memory_space<hbm>>, %arg3: memref<16384xi32, #tpu.memory_space<hbm>>, %arg4: memref<16384x256xf32, #tpu.memory_space<hbm>>, %arg5: memref<128xi32, #tpu.memory_space<vmem>>, %arg6: memref<128x256xf32, #tpu.memory_space<vmem>>, %arg7: memref<!tpu.dma_semaphore, #tpu.memory_space<semaphore_mem>>) attributes {dimension_semantics = [#tpu.dimension_semantics<core_parallel>, #tpu.dimension_semantics<subcore_parallel>], iteration_bounds = array<i64: 2, 16>, scalar_prefetch = 0 : i64, scratch_operands = 3 : i64, tpu.core_type = #tpu.core_type<sc_vector_subcore>, window_params = [{transform_indices = #map}, {transform_indices = #map1}, {transform_indices = #map}]} {
    %mul3A = arith.constant 2 : i32
    %mul3A_0 = arith.muli %arg1, %mul3A : i32
    %add3A = arith.addi %mul3A_0, %arg0 : i32
    %mul3A_1 = arith.constant 512 : i32
    %mul3A_2 = arith.muli %add3A, %mul3A_1 : i32
    %add3A_3 = arith.constant 0 : i32
    %add3A_4 = arith.addi %mul3A_2, %add3A_3 : i32
    "tpu.region"() ({
      %run_scoped3A = tpu.sem_alloc : memref<!tpu.dma_semaphore, #tpu.memory_space<semaphore_mem>>
      %dma_start3A_39 = tpu.memref_slice %arg3[%add3A_4] : memref<16384xi32, #tpu.memory_space<hbm>> -> memref<128xi32, #tpu.memory_space<hbm>>
      %dma_start3A_40 = tpu.memref_slice %arg3[%add3A_4] : memref<16384xi32, #tpu.memory_space<hbm>> -> memref<128xi32, #tpu.memory_space<hbm>>
      tpu.enqueue_dma source(%dma_start3A_40 : memref<128xi32, #tpu.memory_space<hbm>>) target(%arg5 : memref<128xi32, #tpu.memory_space<vmem>>) target_semaphore(%run_scoped3A : memref<!tpu.dma_semaphore, #tpu.memory_space<semaphore_mem>>)
      %dma_wait3A_41 = tpu.memref_slice %arg3[%add3A_4] : memref<16384xi32, #tpu.memory_space<hbm>> -> memref<128xi32, #tpu.memory_space<hbm>>
      %dma_wait3A_42 = tpu.memref_slice %arg3[%add3A_4] : memref<16384xi32, #tpu.memory_space<hbm>> -> memref<128xi32, #tpu.memory_space<hbm>>
      tpu.wait_dma2 semaphore(%run_scoped3A : memref<!tpu.dma_semaphore, #tpu.memory_space<semaphore_mem>>) src(%dma_wait3A_42 : memref<128xi32, #tpu.memory_space<hbm>>) dst(%arg5 : memref<128xi32, #tpu.memory_space<vmem>>)
      tpu.yield
    }) : () -> ()
    %dma_start3A = arith.constant 0 : i32
    %dma_start3A_5 = arith.constant 0 : i32
    %dma_start3A_6 = tpu.memref_slice %arg2[%dma_start3A, %dma_start3A_5] : memref<1024x256xf32, #tpu.memory_space<hbm>> -> memref<1024x256xf32, #tpu.memory_space<hbm>>
    tpu.enqueue_indirect_dma source(%dma_start3A_6 : memref<1024x256xf32, #tpu.memory_space<hbm>>) target(%arg6 : memref<128x256xf32, #tpu.memory_space<vmem>>) offsets(%arg5 : memref<128xi32, #tpu.memory_space<vmem>>) semaphore(%arg7 : memref<!tpu.dma_semaphore, #tpu.memory_space<semaphore_mem>>)
    %dma_wait3A = arith.constant 0 : i32
    %dma_wait3A_7 = arith.constant 0 : i32
    %dma_wait3A_8 = tpu.memref_slice %arg2[%dma_wait3A, %dma_wait3A_7] : memref<1024x256xf32, #tpu.memory_space<hbm>> -> memref<1024x256xf32, #tpu.memory_space<hbm>>
    tpu.wait_indirect_dma semaphore(%arg7 : memref<!tpu.dma_semaphore, #tpu.memory_space<semaphore_mem>>) src(%dma_wait3A_8 : memref<1024x256xf32, #tpu.memory_space<hbm>>) dst(%arg6 : memref<128x256xf32, #tpu.memory_space<vmem>>)
    "tpu.region"() ({
      %run_scoped3A = tpu.sem_alloc : memref<!tpu.dma_semaphore, #tpu.memory_space<semaphore_mem>>
      %dma_start3A_39 = arith.constant 0 : i32
      %dma_start3A_40 = tpu.memref_slice %arg4[%add3A_4, %dma_start3A_39] : memref<16384x256xf32, #tpu.memory_space<hbm>> -> memref<128x256xf32, #tpu.memory_space<hbm>>
      %dma_start3A_41 = arith.constant 0 : i32
      %dma_start3A_42 = tpu.memref_slice %arg4[%add3A_4, %dma_start3A_41] : memref<16384x256xf32, #tpu.memory_space<hbm>> -> memref<128x256xf32, #tpu.memory_space<hbm>>
      tpu.enqueue_dma source(%arg6 : memref<128x256xf32, #tpu.memory_space<vmem>>) target(%dma_start3A_42 : memref<128x256xf32, #tpu.memory_space<hbm>>) target_semaphore(%run_scoped3A : memref<!tpu.dma_semaphore, #tpu.memory_space<semaphore_mem>>)
      %dma_wait3A_43 = arith.constant 0 : i32
      %dma_wait3A_44 = tpu.memref_slice %arg4[%add3A_4, %dma_wait3A_43] : memref<16384x256xf32, #tpu.memory_space<hbm>> -> memref<128x256xf32, #tpu.memory_space<hbm>>
      %dma_wait3A_45 = arith.constant 0 : i32
      %dma_wait3A_46 = tpu.memref_slice %arg4[%add3A_4, %dma_wait3A_45] : memref<16384x256xf32, #tpu.memory_space<hbm>> -> memref<128x256xf32, #tpu.memory_space<hbm>>
      tpu.wait_dma2 semaphore(%run_scoped3A : memref<!tpu.dma_semaphore, #tpu.memory_space<semaphore_mem>>) src(%arg6 : memref<128x256xf32, #tpu.memory_space<vmem>>) dst(%dma_wait3A_46 : memref<128x256xf32, #tpu.memory_space<hbm>>)
      tpu.yield
    }) : () -> ()
    %mul3A_9 = arith.constant 512 : i32
    %mul3A_10 = arith.muli %add3A, %mul3A_9 : i32
    %add3A_11 = arith.constant 128 : i32
    %add3A_12 = arith.addi %mul3A_10, %add3A_11 : i32
    "tpu.region"() ({
      %run_scoped3A = tpu.sem_alloc : memref<!tpu.dma_semaphore, #tpu.memory_space<semaphore_mem>>
      %dma_start3A_39 = tpu.memref_slice %arg3[%add3A_12] : memref<16384xi32, #tpu.memory_space<hbm>> -> memref<128xi32, #tpu.memory_space<hbm>>
      %dma_start3A_40 = tpu.memref_slice %arg3[%add3A_12] : memref<16384xi32, #tpu.memory_space<hbm>> -> memref<128xi32, #tpu.memory_space<hbm>>
      tpu.enqueue_dma source(%dma_start3A_40 : memref<128xi32, #tpu.memory_space<hbm>>) target(%arg5 : memref<128xi32, #tpu.memory_space<vmem>>) target_semaphore(%run_scoped3A : memref<!tpu.dma_semaphore, #tpu.memory_space<semaphore_mem>>)
      %dma_wait3A_41 = tpu.memref_slice %arg3[%add3A_12] : memref<16384xi32, #tpu.memory_space<hbm>> -> memref<128xi32, #tpu.memory_space<hbm>>
      %dma_wait3A_42 = tpu.memref_slice %arg3[%add3A_12] : memref<16384xi32, #tpu.memory_space<hbm>> -> memref<128xi32, #tpu.memory_space<hbm>>
      tpu.wait_dma2 semaphore(%run_scoped3A : memref<!tpu.dma_semaphore, #tpu.memory_space<semaphore_mem>>) src(%dma_wait3A_42 : memref<128xi32, #tpu.memory_space<hbm>>) dst(%arg5 : memref<128xi32, #tpu.memory_space<vmem>>)
      tpu.yield
    }) : () -> ()
    %dma_start3A_13 = arith.constant 0 : i32
    %dma_start3A_14 = arith.constant 0 : i32
    %dma_start3A_15 = tpu.memref_slice %arg2[%dma_start3A_13, %dma_start3A_14] : memref<1024x256xf32, #tpu.memory_space<hbm>> -> memref<1024x256xf32, #tpu.memory_space<hbm>>
    tpu.enqueue_indirect_dma source(%dma_start3A_15 : memref<1024x256xf32, #tpu.memory_space<hbm>>) target(%arg6 : memref<128x256xf32, #tpu.memory_space<vmem>>) offsets(%arg5 : memref<128xi32, #tpu.memory_space<vmem>>) semaphore(%arg7 : memref<!tpu.dma_semaphore, #tpu.memory_space<semaphore_mem>>)
    %dma_wait3A_16 = arith.constant 0 : i32
    %dma_wait3A_17 = arith.constant 0 : i32
    %dma_wait3A_18 = tpu.memref_slice %arg2[%dma_wait3A_16, %dma_wait3A_17] : memref<1024x256xf32, #tpu.memory_space<hbm>> -> memref<1024x256xf32, #tpu.memory_space<hbm>>
    tpu.wait_indirect_dma semaphore(%arg7 : memref<!tpu.dma_semaphore, #tpu.memory_space<semaphore_mem>>) src(%dma_wait3A_18 : memref<1024x256xf32, #tpu.memory_space<hbm>>) dst(%arg6 : memref<128x256xf32, #tpu.memory_space<vmem>>)
    "tpu.region"() ({
      %run_scoped3A = tpu.sem_alloc : memref<!tpu.dma_semaphore, #tpu.memory_space<semaphore_mem>>
      %dma_start3A_39 = arith.constant 0 : i32
      %dma_start3A_40 = tpu.memref_slice %arg4[%add3A_12, %dma_start3A_39] : memref<16384x256xf32, #tpu.memory_space<hbm>> -> memref<128x256xf32, #tpu.memory_space<hbm>>
      %dma_start3A_41 = arith.constant 0 : i32
      %dma_start3A_42 = tpu.memref_slice %arg4[%add3A_12, %dma_start3A_41] : memref<16384x256xf32, #tpu.memory_space<hbm>> -> memref<128x256xf32, #tpu.memory_space<hbm>>
      tpu.enqueue_dma source(%arg6 : memref<128x256xf32, #tpu.memory_space<vmem>>) target(%dma_start3A_42 : memref<128x256xf32, #tpu.memory_space<hbm>>) target_semaphore(%run_scoped3A : memref<!tpu.dma_semaphore, #tpu.memory_space<semaphore_mem>>)
      %dma_wait3A_43 = arith.constant 0 : i32
      %dma_wait3A_44 = tpu.memref_slice %arg4[%add3A_12, %dma_wait3A_43] : memref<16384x256xf32, #tpu.memory_space<hbm>> -> memref<128x256xf32, #tpu.memory_space<hbm>>
      %dma_wait3A_45 = arith.constant 0 : i32
      %dma_wait3A_46 = tpu.memref_slice %arg4[%add3A_12, %dma_wait3A_45] : memref<16384x256xf32, #tpu.memory_space<hbm>> -> memref<128x256xf32, #tpu.memory_space<hbm>>
      tpu.wait_dma2 semaphore(%run_scoped3A : memref<!tpu.dma_semaphore, #tpu.memory_space<semaphore_mem>>) src(%arg6 : memref<128x256xf32, #tpu.memory_space<vmem>>) dst(%dma_wait3A_46 : memref<128x256xf32, #tpu.memory_space<hbm>>)
      tpu.yield
    }) : () -> ()
    %mul3A_19 = arith.constant 512 : i32
    %mul3A_20 = arith.muli %add3A, %mul3A_19 : i32
    %add3A_21 = arith.constant 256 : i32
    %add3A_22 = arith.addi %mul3A_20, %add3A_21 : i32
    "tpu.region"() ({
      %run_scoped3A = tpu.sem_alloc : memref<!tpu.dma_semaphore, #tpu.memory_space<semaphore_mem>>
      %dma_start3A_39 = tpu.memref_slice %arg3[%add3A_22] : memref<16384xi32, #tpu.memory_space<hbm>> -> memref<128xi32, #tpu.memory_space<hbm>>
      %dma_start3A_40 = tpu.memref_slice %arg3[%add3A_22] : memref<16384xi32, #tpu.memory_space<hbm>> -> memref<128xi32, #tpu.memory_space<hbm>>
      tpu.enqueue_dma source(%dma_start3A_40 : memref<128xi32, #tpu.memory_space<hbm>>) target(%arg5 : memref<128xi32, #tpu.memory_space<vmem>>) target_semaphore(%run_scoped3A : memref<!tpu.dma_semaphore, #tpu.memory_space<semaphore_mem>>)
      %dma_wait3A_41 = tpu.memref_slice %arg3[%add3A_22] : memref<16384xi32, #tpu.memory_space<hbm>> -> memref<128xi32, #tpu.memory_space<hbm>>
      %dma_wait3A_42 = tpu.memref_slice %arg3[%add3A_22] : memref<16384xi32, #tpu.memory_space<hbm>> -> memref<128xi32, #tpu.memory_space<hbm>>
      tpu.wait_dma2 semaphore(%run_scoped3A : memref<!tpu.dma_semaphore, #tpu.memory_space<semaphore_mem>>) src(%dma_wait3A_42 : memref<128xi32, #tpu.memory_space<hbm>>) dst(%arg5 : memref<128xi32, #tpu.memory_space<vmem>>)
      tpu.yield
    }) : () -> ()
    %dma_start3A_23 = arith.constant 0 : i32
    %dma_start3A_24 = arith.constant 0 : i32
    %dma_start3A_25 = tpu.memref_slice %arg2[%dma_start3A_23, %dma_start3A_24] : memref<1024x256xf32, #tpu.memory_space<hbm>> -> memref<1024x256xf32, #tpu.memory_space<hbm>>
    tpu.enqueue_indirect_dma source(%dma_start3A_25 : memref<1024x256xf32, #tpu.memory_space<hbm>>) target(%arg6 : memref<128x256xf32, #tpu.memory_space<vmem>>) offsets(%arg5 : memref<128xi32, #tpu.memory_space<vmem>>) semaphore(%arg7 : memref<!tpu.dma_semaphore, #tpu.memory_space<semaphore_mem>>)
    %dma_wait3A_26 = arith.constant 0 : i32
    %dma_wait3A_27 = arith.constant 0 : i32
    %dma_wait3A_28 = tpu.memref_slice %arg2[%dma_wait3A_26, %dma_wait3A_27] : memref<1024x256xf32, #tpu.memory_space<hbm>> -> memref<1024x256xf32, #tpu.memory_space<hbm>>
    tpu.wait_indirect_dma semaphore(%arg7 : memref<!tpu.dma_semaphore, #tpu.memory_space<semaphore_mem>>) src(%dma_wait3A_28 : memref<1024x256xf32, #tpu.memory_space<hbm>>) dst(%arg6 : memref<128x256xf32, #tpu.memory_space<vmem>>)
    "tpu.region"() ({
      %run_scoped3A = tpu.sem_alloc : memref<!tpu.dma_semaphore, #tpu.memory_space<semaphore_mem>>
      %dma_start3A_39 = arith.constant 0 : i32
      %dma_start3A_40 = tpu.memref_slice %arg4[%add3A_22, %dma_start3A_39] : memref<16384x256xf32, #tpu.memory_space<hbm>> -> memref<128x256xf32, #tpu.memory_space<hbm>>
      %dma_start3A_41 = arith.constant 0 : i32
      %dma_start3A_42 = tpu.memref_slice %arg4[%add3A_22, %dma_start3A_41] : memref<16384x256xf32, #tpu.memory_space<hbm>> -> memref<128x256xf32, #tpu.memory_space<hbm>>
      tpu.enqueue_dma source(%arg6 : memref<128x256xf32, #tpu.memory_space<vmem>>) target(%dma_start3A_42 : memref<128x256xf32, #tpu.memory_space<hbm>>) target_semaphore(%run_scoped3A : memref<!tpu.dma_semaphore, #tpu.memory_space<semaphore_mem>>)
      %dma_wait3A_43 = arith.constant 0 : i32
      %dma_wait3A_44 = tpu.memref_slice %arg4[%add3A_22, %dma_wait3A_43] : memref<16384x256xf32, #tpu.memory_space<hbm>> -> memref<128x256xf32, #tpu.memory_space<hbm>>
      %dma_wait3A_45 = arith.constant 0 : i32
      %dma_wait3A_46 = tpu.memref_slice %arg4[%add3A_22, %dma_wait3A_45] : memref<16384x256xf32, #tpu.memory_space<hbm>> -> memref<128x256xf32, #tpu.memory_space<hbm>>
      tpu.wait_dma2 semaphore(%run_scoped3A : memref<!tpu.dma_semaphore, #tpu.memory_space<semaphore_mem>>) src(%arg6 : memref<128x256xf32, #tpu.memory_space<vmem>>) dst(%dma_wait3A_46 : memref<128x256xf32, #tpu.memory_space<hbm>>)
      tpu.yield
    }) : () -> ()
    %mul3A_29 = arith.constant 512 : i32
    %mul3A_30 = arith.muli %add3A, %mul3A_29 : i32
    %add3A_31 = arith.constant 384 : i32
    %add3A_32 = arith.addi %mul3A_30, %add3A_31 : i32
    "tpu.region"() ({
      %run_scoped3A = tpu.sem_alloc : memref<!tpu.dma_semaphore, #tpu.memory_space<semaphore_mem>>
      %dma_start3A_39 = tpu.memref_slice %arg3[%add3A_32] : memref<16384xi32, #tpu.memory_space<hbm>> -> memref<128xi32, #tpu.memory_space<hbm>>
      %dma_start3A_40 = tpu.memref_slice %arg3[%add3A_32] : memref<16384xi32, #tpu.memory_space<hbm>> -> memref<128xi32, #tpu.memory_space<hbm>>
      tpu.enqueue_dma source(%dma_start3A_40 : memref<128xi32, #tpu.memory_space<hbm>>) target(%arg5 : memref<128xi32, #tpu.memory_space<vmem>>) target_semaphore(%run_scoped3A : memref<!tpu.dma_semaphore, #tpu.memory_space<semaphore_mem>>)
      %dma_wait3A_41 = tpu.memref_slice %arg3[%add3A_32] : memref<16384xi32, #tpu.memory_space<hbm>> -> memref<128xi32, #tpu.memory_space<hbm>>
      %dma_wait3A_42 = tpu.memref_slice %arg3[%add3A_32] : memref<16384xi32, #tpu.memory_space<hbm>> -> memref<128xi32, #tpu.memory_space<hbm>>
      tpu.wait_dma2 semaphore(%run_scoped3A : memref<!tpu.dma_semaphore, #tpu.memory_space<semaphore_mem>>) src(%dma_wait3A_42 : memref<128xi32, #tpu.memory_space<hbm>>) dst(%arg5 : memref<128xi32, #tpu.memory_space<vmem>>)
      tpu.yield
    }) : () -> ()
    %dma_start3A_33 = arith.constant 0 : i32
    %dma_start3A_34 = arith.constant 0 : i32
    %dma_start3A_35 = tpu.memref_slice %arg2[%dma_start3A_33, %dma_start3A_34] : memref<1024x256xf32, #tpu.memory_space<hbm>> -> memref<1024x256xf32, #tpu.memory_space<hbm>>
    tpu.enqueue_indirect_dma source(%dma_start3A_35 : memref<1024x256xf32, #tpu.memory_space<hbm>>) target(%arg6 : memref<128x256xf32, #tpu.memory_space<vmem>>) offsets(%arg5 : memref<128xi32, #tpu.memory_space<vmem>>) semaphore(%arg7 : memref<!tpu.dma_semaphore, #tpu.memory_space<semaphore_mem>>)
    %dma_wait3A_36 = arith.constant 0 : i32
    %dma_wait3A_37 = arith.constant 0 : i32
    %dma_wait3A_38 = tpu.memref_slice %arg2[%dma_wait3A_36, %dma_wait3A_37] : memref<1024x256xf32, #tpu.memory_space<hbm>> -> memref<1024x256xf32, #tpu.memory_space<hbm>>
    tpu.wait_indirect_dma semaphore(%arg7 : memref<!tpu.dma_semaphore, #tpu.memory_space<semaphore_mem>>) src(%dma_wait3A_38 : memref<1024x256xf32, #tpu.memory_space<hbm>>) dst(%arg6 : memref<128x256xf32, #tpu.memory_space<vmem>>)
    "tpu.region"() ({
      %run_scoped3A = tpu.sem_alloc : memref<!tpu.dma_semaphore, #tpu.memory_space<semaphore_mem>>
      %dma_start3A_39 = arith.constant 0 : i32
      %dma_start3A_40 = tpu.memref_slice %arg4[%add3A_32, %dma_start3A_39] : memref<16384x256xf32, #tpu.memory_space<hbm>> -> memref<128x256xf32, #tpu.memory_space<hbm>>
      %dma_start3A_41 = arith.constant 0 : i32
      %dma_start3A_42 = tpu.memref_slice %arg4[%add3A_32, %dma_start3A_41] : memref<16384x256xf32, #tpu.memory_space<hbm>> -> memref<128x256xf32, #tpu.memory_space<hbm>>
      tpu.enqueue_dma source(%arg6 : memref<128x256xf32, #tpu.memory_space<vmem>>) target(%dma_start3A_42 : memref<128x256xf32, #tpu.memory_space<hbm>>) target_semaphore(%run_scoped3A : memref<!tpu.dma_semaphore, #tpu.memory_space<semaphore_mem>>)
      %dma_wait3A_43 = arith.constant 0 : i32
      %dma_wait3A_44 = tpu.memref_slice %arg4[%add3A_32, %dma_wait3A_43] : memref<16384x256xf32, #tpu.memory_space<hbm>> -> memref<128x256xf32, #tpu.memory_space<hbm>>
      %dma_wait3A_45 = arith.constant 0 : i32
      %dma_wait3A_46 = tpu.memref_slice %arg4[%add3A_32, %dma_wait3A_45] : memref<16384x256xf32, #tpu.memory_space<hbm>> -> memref<128x256xf32, #tpu.memory_space<hbm>>
      tpu.wait_dma2 semaphore(%run_scoped3A : memref<!tpu.dma_semaphore, #tpu.memory_space<semaphore_mem>>) src(%arg6 : memref<128x256xf32, #tpu.memory_space<vmem>>) dst(%dma_wait3A_46 : memref<128x256xf32, #tpu.memory_space<hbm>>)
      tpu.yield
    }) : () -> ()
    return
  }
}

module attributes {stable_mosaic.version = 14 : i64} {
  func.func @_kb1_body(%arg0: memref<8x1152xf32, #tpu.memory_space<vmem>>, %arg1: memref<8x128xf32, #tpu.memory_space<vmem>>, %arg2: memref<8x128xi32, #tpu.memory_space<vmem>>) attributes {dimension_semantics = [], scalar_prefetch = 0 : i64, scratch_operands = 0 : i64, tpu.core_type = #tpu.core_type<tc>} {
    %get3A = arith.constant 0 : index
    %get3A_0 = arith.constant 0 : index
    %get3A_1 = vector.load %arg0[%get3A, %get3A_0] : memref<8x1152xf32, #tpu.memory_space<vmem>>, vector<8x1152xf32>
    %iota3A = tpu.iota {dimensions = array<i32: 0>} : vector<8x1152xi32>
    %mul3A = arith.constant 1152 : i32
    %mul3A_2 = vector.broadcast %mul3A : i32 to vector<8x1152xi32>
    %mul3A_3 = arith.muli %iota3A, %mul3A_2 : vector<8x1152xi32>
    %iota3A_4 = tpu.iota {dimensions = array<i32: 1>} : vector<8x1152xi32>
    %add3A = arith.addi %mul3A_3, %iota3A_4 : vector<8x1152xi32>
    %iota3A_5 = tpu.iota {dimensions = array<i32: 0>} : vector<8x128xi32>
    %mul3A_6 = arith.constant 128 : i32
    %mul3A_7 = vector.broadcast %mul3A_6 : i32 to vector<8x128xi32>
    %mul3A_8 = arith.muli %iota3A_5, %mul3A_7 : vector<8x128xi32>
    %iota3A_9 = tpu.iota {dimensions = array<i32: 1>} : vector<8x128xi32>
    %add3A_10 = arith.addi %mul3A_8, %iota3A_9 : vector<8x128xi32>
    %broadcast_in_dim3A = arith.constant -2.000000e+09 : f32
    %broadcast_in_dim3A_11 = vector.broadcast %broadcast_in_dim3A : f32 to vector<8x128xf32>
    %broadcast_in_dim3A_12 = arith.constant 0 : i32
    %broadcast_in_dim3A_13 = vector.broadcast %broadcast_in_dim3A_12 : i32 to vector<8x128xi32>
    %scan3A = arith.constant 0 : i32
    %scan3A_14 = arith.constant 1000 : i32
    %scan3A_15 = arith.addi %scan3A, %scan3A_14 : i32
    %scan3A_16 = arith.constant 1 : i32
    %scan3A_17:3 = scf.for %scan3A_24 = %scan3A to %scan3A_15 step %scan3A_16 iter_args(%scan3A_25 = %get3A_1, %scan3A_26 = %broadcast_in_dim3A_11, %scan3A_27 = %broadcast_in_dim3A_13) -> (vector<8x1152xf32>, vector<8x128xf32>, vector<8x128xi32>)  : i32 {
      %reduce_max3A = vector.shape_cast %scan3A_25 : vector<8x1152xf32> to vector<1x8x1152xf32>
      %reduce_max3A_28 = arith.constant dense<0xFF800000> : vector<1xf32>
      %reduce_max3A_29 = vector.multi_reduction <maximumf>, %reduce_max3A, %reduce_max3A_28 [1, 2] : vector<1x8x1152xf32> to vector<1xf32>
      %reduce_max3A_30 = vector.shape_cast %reduce_max3A_29 : vector<1xf32> to vector<1x1x1xf32>
      %reduce_max3A_31 = vector.extract %reduce_max3A_30[0, 0, 0] : f32 from vector<1x1x1xf32>
      %eq3A = vector.broadcast %reduce_max3A_31 : f32 to vector<8x1152xf32>
      %eq3A_32 = arith.cmpf oeq, %scan3A_25, %eq3A : vector<8x1152xf32>
      %jit3A = arith.constant 1073741824 : i32
      %broadcast_in_dim3A_33 = vector.broadcast %jit3A : i32 to vector<8x1152xi32>
      %select_n3A = arith.select %eq3A_32, %add3A, %broadcast_in_dim3A_33 : vector<8x1152xi1>, vector<8x1152xi32>
      %reduce_min3A = vector.shape_cast %select_n3A : vector<8x1152xi32> to vector<1x8x1152xi32>
      %reduce_min3A_34 = arith.constant dense<2147483647> : vector<1xi32>
      %reduce_min3A_35 = vector.multi_reduction <minsi>, %reduce_min3A, %reduce_min3A_34 [1, 2] : vector<1x8x1152xi32> to vector<1xi32>
      %reduce_min3A_36 = vector.shape_cast %reduce_min3A_35 : vector<1xi32> to vector<1x1x1xi32>
      %reduce_min3A_37 = vector.extract %reduce_min3A_36[0, 0, 0] : i32 from vector<1x1x1xi32>
      %eq3A_38 = vector.broadcast %scan3A_24 : i32 to vector<8x128xi32>
      %eq3A_39 = arith.cmpi eq, %add3A_10, %eq3A_38 : vector<8x128xi32>
      %broadcast_in_dim3A_40 = vector.broadcast %reduce_max3A_31 : f32 to vector<8x128xf32>
      %select_n3A_41 = arith.select %eq3A_39, %broadcast_in_dim3A_40, %scan3A_26 : vector<8x128xi1>, vector<8x128xf32>
      %broadcast_in_dim3A_42 = vector.broadcast %reduce_min3A_37 : i32 to vector<8x128xi32>
      %select_n3A_43 = arith.select %eq3A_39, %broadcast_in_dim3A_42, %scan3A_27 : vector<8x128xi1>, vector<8x128xi32>
      %eq3A_44 = vector.broadcast %reduce_min3A_37 : i32 to vector<8x1152xi32>
      %eq3A_45 = arith.cmpi eq, %add3A, %eq3A_44 : vector<8x1152xi32>
      %jit3A_46 = arith.constant -2.000000e+09 : f32
      %broadcast_in_dim3A_47 = vector.broadcast %jit3A_46 : f32 to vector<8x1152xf32>
      %select_n3A_48 = arith.select %eq3A_45, %broadcast_in_dim3A_47, %scan3A_25 : vector<8x1152xi1>, vector<8x1152xf32>
      scf.yield %select_n3A_48, %select_n3A_41, %select_n3A_43 : vector<8x1152xf32>, vector<8x128xf32>, vector<8x128xi32>
    }
    %scan3A_18 = arith.constant 1000 : i32
    %swap3A = arith.constant 0 : index
    %swap3A_19 = arith.constant 0 : index
    %swap3A_20 = vector.load %arg1[%swap3A, %swap3A_19] : memref<8x128xf32, #tpu.memory_space<vmem>>, vector<8x128xf32>
    tpu.vector_store %arg1[%swap3A, %swap3A_19], %scan3A_17#1 {strides = array<i32>} : memref<8x128xf32, #tpu.memory_space<vmem>>, vector<8x128xf32>,
    %swap3A_21 = arith.constant 0 : index
    %swap3A_22 = arith.constant 0 : index
    %swap3A_23 = vector.load %arg2[%swap3A_21, %swap3A_22] : memref<8x128xi32, #tpu.memory_space<vmem>>, vector<8x128xi32>
    tpu.vector_store %arg2[%swap3A_21, %swap3A_22], %scan3A_17#2 {strides = array<i32>} : memref<8x128xi32, #tpu.memory_space<vmem>>, vector<8x128xi32>,
    return
  }
}

module attributes {stable_mosaic.version = 14 : i64} {
  func.func @_kb2_body(%arg0: memref<1024x1xi32, #tpu.memory_space<vmem>>, %arg1: memref<8x1152xf32, #tpu.memory_space<vmem>>, %arg2: memref<8x1152xf32, #tpu.memory_space<vmem>>, %arg3: memref<8x1152xf32, #tpu.memory_space<vmem>>, %arg4: memref<8x1152xf32, #tpu.memory_space<vmem>>, %arg5: memref<1024x1xf32, #tpu.memory_space<vmem>>, %arg6: memref<1024x1xf32, #tpu.memory_space<vmem>>, %arg7: memref<1024x1xf32, #tpu.memory_space<vmem>>, %arg8: memref<1024x1xf32, #tpu.memory_space<vmem>>) attributes {dimension_semantics = [], scalar_prefetch = 0 : i64, scratch_operands = 0 : i64, tpu.core_type = #tpu.core_type<tc>} {
    %get3A = arith.constant 0 : index
    %get3A_0 = arith.constant 0 : index
    %get3A_1 = vector.load %arg0[%get3A, %get3A_0] : memref<1024x1xi32, #tpu.memory_space<vmem>>, vector<1024x1xi32>
    %jit3A = arith.constant 1152 : i32
    %div3A = vector.broadcast %jit3A : i32 to vector<1024x1xi32>
    %div3A_2 = arith.divsi %get3A_1, %div3A : vector<1024x1xi32>
    %sign3A = arith.constant 0 : i32
    %sign3A_3 = vector.broadcast %sign3A : i32 to vector<1024x1xi32>
    %sign3A_4 = arith.cmpi sgt, %get3A_1, %sign3A_3 : vector<1024x1xi32>
    %sign3A_5 = arith.extui %sign3A_4 : vector<1024x1xi1> to vector<1024x1xi32>
    %sign3A_6 = arith.constant 0 : i32
    %sign3A_7 = vector.broadcast %sign3A_6 : i32 to vector<1024x1xi32>
    %sign3A_8 = arith.cmpi slt, %get3A_1, %sign3A_7 : vector<1024x1xi32>
    %sign3A_9 = arith.extui %sign3A_8 : vector<1024x1xi1> to vector<1024x1xi32>
    %sign3A_10 = arith.subi %sign3A_5, %sign3A_9 : vector<1024x1xi32>
    %sign3A_11 = arith.constant 0 : i32
    %sign3A_12 = arith.cmpi sgt, %jit3A, %sign3A_11 : i32
    %sign3A_13 = arith.extui %sign3A_12 : i1 to i32
    %sign3A_14 = arith.constant 0 : i32
    %sign3A_15 = arith.cmpi slt, %jit3A, %sign3A_14 : i32
    %sign3A_16 = arith.extui %sign3A_15 : i1 to i32
    %sign3A_17 = arith.subi %sign3A_13, %sign3A_16 : i32
    %ne3A = vector.broadcast %sign3A_17 : i32 to vector<1024x1xi32>
    %ne3A_18 = arith.cmpi ne, %sign3A_10, %ne3A : vector<1024x1xi32>
    %rem3A = vector.broadcast %jit3A : i32 to vector<1024x1xi32>
    %rem3A_19 = arith.remsi %get3A_1, %rem3A : vector<1024x1xi32>
    %ne3A_20 = arith.constant 0 : i32
    %ne3A_21 = vector.broadcast %ne3A_20 : i32 to vector<1024x1xi32>
    %ne3A_22 = arith.cmpi ne, %rem3A_19, %ne3A_21 : vector<1024x1xi32>
    %and3A = arith.andi %ne3A_18, %ne3A_22 : vector<1024x1xi1>
    %sub3A = arith.constant 1 : i32
    %sub3A_23 = vector.broadcast %sub3A : i32 to vector<1024x1xi32>
    %sub3A_24 = arith.subi %div3A_2, %sub3A_23 : vector<1024x1xi32>
    %select_n3A = arith.select %and3A, %sub3A_24, %div3A_2 : vector<1024x1xi1>, vector<1024x1xi32>
    %mul3A = arith.constant 1152 : i32
    %mul3A_25 = vector.broadcast %mul3A : i32 to vector<1024x1xi32>
    %mul3A_26 = arith.muli %select_n3A, %mul3A_25 : vector<1024x1xi32>
    %sub3A_27 = arith.subi %get3A_1, %mul3A_26 : vector<1024x1xi32>
    %iota3A = tpu.iota {dimensions = array<i32: 1>} : vector<1024x1152xi32>
    %eq3A = vector.broadcast %sub3A_27 : vector<1024x1xi32> to vector<1024x1152xi32>
    %eq3A_28 = arith.cmpi eq, %iota3A, %eq3A : vector<1024x1152xi32>
    %convert_element_type3A = arith.extui %eq3A_28 : vector<1024x1152xi1> to vector<1024x1152xi32>
    %convert_element_type3A_29 = arith.sitofp %convert_element_type3A : vector<1024x1152xi32> to vector<1024x1152xf32>
    %get3A_30 = arith.constant 0 : index
    %get3A_31 = arith.constant 0 : index
    %get3A_32 = vector.load %arg1[%get3A_30, %get3A_31] : memref<8x1152xf32, #tpu.memory_space<vmem>>, vector<8x1152xf32>
    %broadcast_in_dim3A = arith.constant 0.000000e+00 : f32
    %broadcast_in_dim3A_33 = vector.broadcast %broadcast_in_dim3A : f32 to vector<1024x1152xf32>
    %eq3A_34 = arith.constant 0 : i32
    %eq3A_35 = vector.broadcast %eq3A_34 : i32 to vector<1024x1xi32>
    %eq3A_36 = arith.cmpi eq, %select_n3A, %eq3A_35 : vector<1024x1xi32>
    %slice3A = vector.extract_strided_slice %get3A_32 {offsets = [0, 0], sizes = [1, 1152], strides = [1, 1]} : vector<8x1152xf32> to vector<1x1152xf32>
    %broadcast_in_dim3A_37 = vector.shape_cast %eq3A_36 : vector<1024x1xi1> to vector<1024x1xi1>
    %broadcast_in_dim3A_38 = vector.broadcast %broadcast_in_dim3A_37 : vector<1024x1xi1> to vector<1024x1152xi1>
    %broadcast_in_dim3A_39 = vector.shape_cast %slice3A : vector<1x1152xf32> to vector<1x1152xf32>
    %broadcast_in_dim3A_40 = vector.broadcast %broadcast_in_dim3A_39 : vector<1x1152xf32> to vector<1024x1152xf32>
    %select_n3A_41 = arith.select %broadcast_in_dim3A_38, %broadcast_in_dim3A_40, %broadcast_in_dim3A_33 : vector<1024x1152xi1>, vector<1024x1152xf32>
    %eq3A_42 = arith.constant 1 : i32
    %eq3A_43 = vector.broadcast %eq3A_42 : i32 to vector<1024x1xi32>
    %eq3A_44 = arith.cmpi eq, %select_n3A, %eq3A_43 : vector<1024x1xi32>
    %slice3A_45 = vector.extract_strided_slice %get3A_32 {offsets = [1, 0], sizes = [1, 1152], strides = [1, 1]} : vector<8x1152xf32> to vector<1x1152xf32>
    %broadcast_in_dim3A_46 = vector.shape_cast %eq3A_44 : vector<1024x1xi1> to vector<1024x1xi1>
    %broadcast_in_dim3A_47 = vector.broadcast %broadcast_in_dim3A_46 : vector<1024x1xi1> to vector<1024x1152xi1>
    %broadcast_in_dim3A_48 = vector.shape_cast %slice3A_45 : vector<1x1152xf32> to vector<1x1152xf32>
    %broadcast_in_dim3A_49 = vector.broadcast %broadcast_in_dim3A_48 : vector<1x1152xf32> to vector<1024x1152xf32>
    %select_n3A_50 = arith.select %broadcast_in_dim3A_47, %broadcast_in_dim3A_49, %select_n3A_41 : vector<1024x1152xi1>, vector<1024x1152xf32>
    %eq3A_51 = arith.constant 2 : i32
    %eq3A_52 = vector.broadcast %eq3A_51 : i32 to vector<1024x1xi32>
    %eq3A_53 = arith.cmpi eq, %select_n3A, %eq3A_52 : vector<1024x1xi32>
    %slice3A_54 = vector.extract_strided_slice %get3A_32 {offsets = [2, 0], sizes = [1, 1152], strides = [1, 1]} : vector<8x1152xf32> to vector<1x1152xf32>
    %broadcast_in_dim3A_55 = vector.shape_cast %eq3A_53 : vector<1024x1xi1> to vector<1024x1xi1>
    %broadcast_in_dim3A_56 = vector.broadcast %broadcast_in_dim3A_55 : vector<1024x1xi1> to vector<1024x1152xi1>
    %broadcast_in_dim3A_57 = vector.shape_cast %slice3A_54 : vector<1x1152xf32> to vector<1x1152xf32>
    %broadcast_in_dim3A_58 = vector.broadcast %broadcast_in_dim3A_57 : vector<1x1152xf32> to vector<1024x1152xf32>
    %select_n3A_59 = arith.select %broadcast_in_dim3A_56, %broadcast_in_dim3A_58, %select_n3A_50 : vector<1024x1152xi1>, vector<1024x1152xf32>
    %eq3A_60 = arith.constant 3 : i32
    %eq3A_61 = vector.broadcast %eq3A_60 : i32 to vector<1024x1xi32>
    %eq3A_62 = arith.cmpi eq, %select_n3A, %eq3A_61 : vector<1024x1xi32>
    %slice3A_63 = vector.extract_strided_slice %get3A_32 {offsets = [3, 0], sizes = [1, 1152], strides = [1, 1]} : vector<8x1152xf32> to vector<1x1152xf32>
    %broadcast_in_dim3A_64 = vector.shape_cast %eq3A_62 : vector<1024x1xi1> to vector<1024x1xi1>
    %broadcast_in_dim3A_65 = vector.broadcast %broadcast_in_dim3A_64 : vector<1024x1xi1> to vector<1024x1152xi1>
    %broadcast_in_dim3A_66 = vector.shape_cast %slice3A_63 : vector<1x1152xf32> to vector<1x1152xf32>
    %broadcast_in_dim3A_67 = vector.broadcast %broadcast_in_dim3A_66 : vector<1x1152xf32> to vector<1024x1152xf32>
    %select_n3A_68 = arith.select %broadcast_in_dim3A_65, %broadcast_in_dim3A_67, %select_n3A_59 : vector<1024x1152xi1>, vector<1024x1152xf32>
    %eq3A_69 = arith.constant 4 : i32
    %eq3A_70 = vector.broadcast %eq3A_69 : i32 to vector<1024x1xi32>
    %eq3A_71 = arith.cmpi eq, %select_n3A, %eq3A_70 : vector<1024x1xi32>
    %slice3A_72 = vector.extract_strided_slice %get3A_32 {offsets = [4, 0], sizes = [1, 1152], strides = [1, 1]} : vector<8x1152xf32> to vector<1x1152xf32>
    %broadcast_in_dim3A_73 = vector.shape_cast %eq3A_71 : vector<1024x1xi1> to vector<1024x1xi1>
    %broadcast_in_dim3A_74 = vector.broadcast %broadcast_in_dim3A_73 : vector<1024x1xi1> to vector<1024x1152xi1>
    %broadcast_in_dim3A_75 = vector.shape_cast %slice3A_72 : vector<1x1152xf32> to vector<1x1152xf32>
    %broadcast_in_dim3A_76 = vector.broadcast %broadcast_in_dim3A_75 : vector<1x1152xf32> to vector<1024x1152xf32>
    %select_n3A_77 = arith.select %broadcast_in_dim3A_74, %broadcast_in_dim3A_76, %select_n3A_68 : vector<1024x1152xi1>, vector<1024x1152xf32>
    %eq3A_78 = arith.constant 5 : i32
    %eq3A_79 = vector.broadcast %eq3A_78 : i32 to vector<1024x1xi32>
    %eq3A_80 = arith.cmpi eq, %select_n3A, %eq3A_79 : vector<1024x1xi32>
    %slice3A_81 = vector.extract_strided_slice %get3A_32 {offsets = [5, 0], sizes = [1, 1152], strides = [1, 1]} : vector<8x1152xf32> to vector<1x1152xf32>
    %broadcast_in_dim3A_82 = vector.shape_cast %eq3A_80 : vector<1024x1xi1> to vector<1024x1xi1>
    %broadcast_in_dim3A_83 = vector.broadcast %broadcast_in_dim3A_82 : vector<1024x1xi1> to vector<1024x1152xi1>
    %broadcast_in_dim3A_84 = vector.shape_cast %slice3A_81 : vector<1x1152xf32> to vector<1x1152xf32>
    %broadcast_in_dim3A_85 = vector.broadcast %broadcast_in_dim3A_84 : vector<1x1152xf32> to vector<1024x1152xf32>
    %select_n3A_86 = arith.select %broadcast_in_dim3A_83, %broadcast_in_dim3A_85, %select_n3A_77 : vector<1024x1152xi1>, vector<1024x1152xf32>
    %eq3A_87 = arith.constant 6 : i32
    %eq3A_88 = vector.broadcast %eq3A_87 : i32 to vector<1024x1xi32>
    %eq3A_89 = arith.cmpi eq, %select_n3A, %eq3A_88 : vector<1024x1xi32>
    %slice3A_90 = vector.extract_strided_slice %get3A_32 {offsets = [6, 0], sizes = [1, 1152], strides = [1, 1]} : vector<8x1152xf32> to vector<1x1152xf32>
    %broadcast_in_dim3A_91 = vector.shape_cast %eq3A_89 : vector<1024x1xi1> to vector<1024x1xi1>
    %broadcast_in_dim3A_92 = vector.broadcast %broadcast_in_dim3A_91 : vector<1024x1xi1> to vector<1024x1152xi1>
    %broadcast_in_dim3A_93 = vector.shape_cast %slice3A_90 : vector<1x1152xf32> to vector<1x1152xf32>
    %broadcast_in_dim3A_94 = vector.broadcast %broadcast_in_dim3A_93 : vector<1x1152xf32> to vector<1024x1152xf32>
    %select_n3A_95 = arith.select %broadcast_in_dim3A_92, %broadcast_in_dim3A_94, %select_n3A_86 : vector<1024x1152xi1>, vector<1024x1152xf32>
    %eq3A_96 = arith.constant 7 : i32
    %eq3A_97 = vector.broadcast %eq3A_96 : i32 to vector<1024x1xi32>
    %eq3A_98 = arith.cmpi eq, %select_n3A, %eq3A_97 : vector<1024x1xi32>
    %slice3A_99 = vector.extract_strided_slice %get3A_32 {offsets = [7, 0], sizes = [1, 1152], strides = [1, 1]} : vector<8x1152xf32> to vector<1x1152xf32>
    %broadcast_in_dim3A_100 = vector.shape_cast %eq3A_98 : vector<1024x1xi1> to vector<1024x1xi1>
    %broadcast_in_dim3A_101 = vector.broadcast %broadcast_in_dim3A_100 : vector<1024x1xi1> to vector<1024x1152xi1>
    %broadcast_in_dim3A_102 = vector.shape_cast %slice3A_99 : vector<1x1152xf32> to vector<1x1152xf32>
    %broadcast_in_dim3A_103 = vector.broadcast %broadcast_in_dim3A_102 : vector<1x1152xf32> to vector<1024x1152xf32>
    %select_n3A_104 = arith.select %broadcast_in_dim3A_101, %broadcast_in_dim3A_103, %select_n3A_95 : vector<1024x1152xi1>, vector<1024x1152xf32>
    %mul3A_105 = arith.mulf %select_n3A_104, %convert_element_type3A_29 : vector<1024x1152xf32>
    %reduce_sum3A = arith.constant dense<0.000000e+00> : vector<1024xf32>
    %reduce_sum3A_106 = vector.multi_reduction <add>, %mul3A_105, %reduce_sum3A [1] : vector<1024x1152xf32> to vector<1024xf32>
    %broadcast_in_dim3A_107 = vector.shape_cast %reduce_sum3A_106 : vector<1024xf32> to vector<1024x1xf32>
    %swap3A = arith.constant 0 : index
    %swap3A_108 = arith.constant 0 : index
    %swap3A_109 = vector.load %arg5[%swap3A, %swap3A_108] : memref<1024x1xf32, #tpu.memory_space<vmem>>, vector<1024x1xf32>
    tpu.vector_store %arg5[%swap3A, %swap3A_108], %broadcast_in_dim3A_107 {strides = array<i32>} : memref<1024x1xf32, #tpu.memory_space<vmem>>, vector<1024x1xf32>,
    %get3A_110 = arith.constant 0 : index
    %get3A_111 = arith.constant 0 : index
    %get3A_112 = vector.load %arg2[%get3A_110, %get3A_111] : memref<8x1152xf32, #tpu.memory_space<vmem>>, vector<8x1152xf32>
    %broadcast_in_dim3A_113 = arith.constant 0.000000e+00 : f32
    %broadcast_in_dim3A_114 = vector.broadcast %broadcast_in_dim3A_113 : f32 to vector<1024x1152xf32>
    %eq3A_115 = arith.constant 0 : i32
    %eq3A_116 = vector.broadcast %eq3A_115 : i32 to vector<1024x1xi32>
    %eq3A_117 = arith.cmpi eq, %select_n3A, %eq3A_116 : vector<1024x1xi32>
    %slice3A_118 = vector.extract_strided_slice %get3A_112 {offsets = [0, 0], sizes = [1, 1152], strides = [1, 1]} : vector<8x1152xf32> to vector<1x1152xf32>
    %broadcast_in_dim3A_119 = vector.shape_cast %eq3A_117 : vector<1024x1xi1> to vector<1024x1xi1>
    %broadcast_in_dim3A_120 = vector.broadcast %broadcast_in_dim3A_119 : vector<1024x1xi1> to vector<1024x1152xi1>
    %broadcast_in_dim3A_121 = vector.shape_cast %slice3A_118 : vector<1x1152xf32> to vector<1x1152xf32>
    %broadcast_in_dim3A_122 = vector.broadcast %broadcast_in_dim3A_121 : vector<1x1152xf32> to vector<1024x1152xf32>
    %select_n3A_123 = arith.select %broadcast_in_dim3A_120, %broadcast_in_dim3A_122, %broadcast_in_dim3A_114 : vector<1024x1152xi1>, vector<1024x1152xf32>
    %eq3A_124 = arith.constant 1 : i32
    %eq3A_125 = vector.broadcast %eq3A_124 : i32 to vector<1024x1xi32>
    %eq3A_126 = arith.cmpi eq, %select_n3A, %eq3A_125 : vector<1024x1xi32>
    %slice3A_127 = vector.extract_strided_slice %get3A_112 {offsets = [1, 0], sizes = [1, 1152], strides = [1, 1]} : vector<8x1152xf32> to vector<1x1152xf32>
    %broadcast_in_dim3A_128 = vector.shape_cast %eq3A_126 : vector<1024x1xi1> to vector<1024x1xi1>
    %broadcast_in_dim3A_129 = vector.broadcast %broadcast_in_dim3A_128 : vector<1024x1xi1> to vector<1024x1152xi1>
    %broadcast_in_dim3A_130 = vector.shape_cast %slice3A_127 : vector<1x1152xf32> to vector<1x1152xf32>
    %broadcast_in_dim3A_131 = vector.broadcast %broadcast_in_dim3A_130 : vector<1x1152xf32> to vector<1024x1152xf32>
    %select_n3A_132 = arith.select %broadcast_in_dim3A_129, %broadcast_in_dim3A_131, %select_n3A_123 : vector<1024x1152xi1>, vector<1024x1152xf32>
    %eq3A_133 = arith.constant 2 : i32
    %eq3A_134 = vector.broadcast %eq3A_133 : i32 to vector<1024x1xi32>
    %eq3A_135 = arith.cmpi eq, %select_n3A, %eq3A_134 : vector<1024x1xi32>
    %slice3A_136 = vector.extract_strided_slice %get3A_112 {offsets = [2, 0], sizes = [1, 1152], strides = [1, 1]} : vector<8x1152xf32> to vector<1x1152xf32>
    %broadcast_in_dim3A_137 = vector.shape_cast %eq3A_135 : vector<1024x1xi1> to vector<1024x1xi1>
    %broadcast_in_dim3A_138 = vector.broadcast %broadcast_in_dim3A_137 : vector<1024x1xi1> to vector<1024x1152xi1>
    %broadcast_in_dim3A_139 = vector.shape_cast %slice3A_136 : vector<1x1152xf32> to vector<1x1152xf32>
    %broadcast_in_dim3A_140 = vector.broadcast %broadcast_in_dim3A_139 : vector<1x1152xf32> to vector<1024x1152xf32>
    %select_n3A_141 = arith.select %broadcast_in_dim3A_138, %broadcast_in_dim3A_140, %select_n3A_132 : vector<1024x1152xi1>, vector<1024x1152xf32>
    %eq3A_142 = arith.constant 3 : i32
    %eq3A_143 = vector.broadcast %eq3A_142 : i32 to vector<1024x1xi32>
    %eq3A_144 = arith.cmpi eq, %select_n3A, %eq3A_143 : vector<1024x1xi32>
    %slice3A_145 = vector.extract_strided_slice %get3A_112 {offsets = [3, 0], sizes = [1, 1152], strides = [1, 1]} : vector<8x1152xf32> to vector<1x1152xf32>
    %broadcast_in_dim3A_146 = vector.shape_cast %eq3A_144 : vector<1024x1xi1> to vector<1024x1xi1>
    %broadcast_in_dim3A_147 = vector.broadcast %broadcast_in_dim3A_146 : vector<1024x1xi1> to vector<1024x1152xi1>
    %broadcast_in_dim3A_148 = vector.shape_cast %slice3A_145 : vector<1x1152xf32> to vector<1x1152xf32>
    %broadcast_in_dim3A_149 = vector.broadcast %broadcast_in_dim3A_148 : vector<1x1152xf32> to vector<1024x1152xf32>
    %select_n3A_150 = arith.select %broadcast_in_dim3A_147, %broadcast_in_dim3A_149, %select_n3A_141 : vector<1024x1152xi1>, vector<1024x1152xf32>
    %eq3A_151 = arith.constant 4 : i32
    %eq3A_152 = vector.broadcast %eq3A_151 : i32 to vector<1024x1xi32>
    %eq3A_153 = arith.cmpi eq, %select_n3A, %eq3A_152 : vector<1024x1xi32>
    %slice3A_154 = vector.extract_strided_slice %get3A_112 {offsets = [4, 0], sizes = [1, 1152], strides = [1, 1]} : vector<8x1152xf32> to vector<1x1152xf32>
    %broadcast_in_dim3A_155 = vector.shape_cast %eq3A_153 : vector<1024x1xi1> to vector<1024x1xi1>
    %broadcast_in_dim3A_156 = vector.broadcast %broadcast_in_dim3A_155 : vector<1024x1xi1> to vector<1024x1152xi1>
    %broadcast_in_dim3A_157 = vector.shape_cast %slice3A_154 : vector<1x1152xf32> to vector<1x1152xf32>
    %broadcast_in_dim3A_158 = vector.broadcast %broadcast_in_dim3A_157 : vector<1x1152xf32> to vector<1024x1152xf32>
    %select_n3A_159 = arith.select %broadcast_in_dim3A_156, %broadcast_in_dim3A_158, %select_n3A_150 : vector<1024x1152xi1>, vector<1024x1152xf32>
    %eq3A_160 = arith.constant 5 : i32
    %eq3A_161 = vector.broadcast %eq3A_160 : i32 to vector<1024x1xi32>
    %eq3A_162 = arith.cmpi eq, %select_n3A, %eq3A_161 : vector<1024x1xi32>
    %slice3A_163 = vector.extract_strided_slice %get3A_112 {offsets = [5, 0], sizes = [1, 1152], strides = [1, 1]} : vector<8x1152xf32> to vector<1x1152xf32>
    %broadcast_in_dim3A_164 = vector.shape_cast %eq3A_162 : vector<1024x1xi1> to vector<1024x1xi1>
    %broadcast_in_dim3A_165 = vector.broadcast %broadcast_in_dim3A_164 : vector<1024x1xi1> to vector<1024x1152xi1>
    %broadcast_in_dim3A_166 = vector.shape_cast %slice3A_163 : vector<1x1152xf32> to vector<1x1152xf32>
    %broadcast_in_dim3A_167 = vector.broadcast %broadcast_in_dim3A_166 : vector<1x1152xf32> to vector<1024x1152xf32>
    %select_n3A_168 = arith.select %broadcast_in_dim3A_165, %broadcast_in_dim3A_167, %select_n3A_159 : vector<1024x1152xi1>, vector<1024x1152xf32>
    %eq3A_169 = arith.constant 6 : i32
    %eq3A_170 = vector.broadcast %eq3A_169 : i32 to vector<1024x1xi32>
    %eq3A_171 = arith.cmpi eq, %select_n3A, %eq3A_170 : vector<1024x1xi32>
    %slice3A_172 = vector.extract_strided_slice %get3A_112 {offsets = [6, 0], sizes = [1, 1152], strides = [1, 1]} : vector<8x1152xf32> to vector<1x1152xf32>
    %broadcast_in_dim3A_173 = vector.shape_cast %eq3A_171 : vector<1024x1xi1> to vector<1024x1xi1>
    %broadcast_in_dim3A_174 = vector.broadcast %broadcast_in_dim3A_173 : vector<1024x1xi1> to vector<1024x1152xi1>
    %broadcast_in_dim3A_175 = vector.shape_cast %slice3A_172 : vector<1x1152xf32> to vector<1x1152xf32>
    %broadcast_in_dim3A_176 = vector.broadcast %broadcast_in_dim3A_175 : vector<1x1152xf32> to vector<1024x1152xf32>
    %select_n3A_177 = arith.select %broadcast_in_dim3A_174, %broadcast_in_dim3A_176, %select_n3A_168 : vector<1024x1152xi1>, vector<1024x1152xf32>
    %eq3A_178 = arith.constant 7 : i32
    %eq3A_179 = vector.broadcast %eq3A_178 : i32 to vector<1024x1xi32>
    %eq3A_180 = arith.cmpi eq, %select_n3A, %eq3A_179 : vector<1024x1xi32>
    %slice3A_181 = vector.extract_strided_slice %get3A_112 {offsets = [7, 0], sizes = [1, 1152], strides = [1, 1]} : vector<8x1152xf32> to vector<1x1152xf32>
    %broadcast_in_dim3A_182 = vector.shape_cast %eq3A_180 : vector<1024x1xi1> to vector<1024x1xi1>
    %broadcast_in_dim3A_183 = vector.broadcast %broadcast_in_dim3A_182 : vector<1024x1xi1> to vector<1024x1152xi1>
    %broadcast_in_dim3A_184 = vector.shape_cast %slice3A_181 : vector<1x1152xf32> to vector<1x1152xf32>
    %broadcast_in_dim3A_185 = vector.broadcast %broadcast_in_dim3A_184 : vector<1x1152xf32> to vector<1024x1152xf32>
    %select_n3A_186 = arith.select %broadcast_in_dim3A_183, %broadcast_in_dim3A_185, %select_n3A_177 : vector<1024x1152xi1>, vector<1024x1152xf32>
    %mul3A_187 = arith.mulf %select_n3A_186, %convert_element_type3A_29 : vector<1024x1152xf32>
    %reduce_sum3A_188 = arith.constant dense<0.000000e+00> : vector<1024xf32>
    %reduce_sum3A_189 = vector.multi_reduction <add>, %mul3A_187, %reduce_sum3A_188 [1] : vector<1024x1152xf32> to vector<1024xf32>
    %broadcast_in_dim3A_190 = vector.shape_cast %reduce_sum3A_189 : vector<1024xf32> to vector<1024x1xf32>
    %swap3A_191 = arith.constant 0 : index
    %swap3A_192 = arith.constant 0 : index
    %swap3A_193 = vector.load %arg6[%swap3A_191, %swap3A_192] : memref<1024x1xf32, #tpu.memory_space<vmem>>, vector<1024x1xf32>
    tpu.vector_store %arg6[%swap3A_191, %swap3A_192], %broadcast_in_dim3A_190 {strides = array<i32>} : memref<1024x1xf32, #tpu.memory_space<vmem>>, vector<1024x1xf32>,
    %get3A_194 = arith.constant 0 : index
    %get3A_195 = arith.constant 0 : index
    %get3A_196 = vector.load %arg3[%get3A_194, %get3A_195] : memref<8x1152xf32, #tpu.memory_space<vmem>>, vector<8x1152xf32>
    %broadcast_in_dim3A_197 = arith.constant 0.000000e+00 : f32
    %broadcast_in_dim3A_198 = vector.broadcast %broadcast_in_dim3A_197 : f32 to vector<1024x1152xf32>
    %eq3A_199 = arith.constant 0 : i32
    %eq3A_200 = vector.broadcast %eq3A_199 : i32 to vector<1024x1xi32>
    %eq3A_201 = arith.cmpi eq, %select_n3A, %eq3A_200 : vector<1024x1xi32>
    %slice3A_202 = vector.extract_strided_slice %get3A_196 {offsets = [0, 0], sizes = [1, 1152], strides = [1, 1]} : vector<8x1152xf32> to vector<1x1152xf32>
    %broadcast_in_dim3A_203 = vector.shape_cast %eq3A_201 : vector<1024x1xi1> to vector<1024x1xi1>
    %broadcast_in_dim3A_204 = vector.broadcast %broadcast_in_dim3A_203 : vector<1024x1xi1> to vector<1024x1152xi1>
    %broadcast_in_dim3A_205 = vector.shape_cast %slice3A_202 : vector<1x1152xf32> to vector<1x1152xf32>
    %broadcast_in_dim3A_206 = vector.broadcast %broadcast_in_dim3A_205 : vector<1x1152xf32> to vector<1024x1152xf32>
    %select_n3A_207 = arith.select %broadcast_in_dim3A_204, %broadcast_in_dim3A_206, %broadcast_in_dim3A_198 : vector<1024x1152xi1>, vector<1024x1152xf32>
    %eq3A_208 = arith.constant 1 : i32
    %eq3A_209 = vector.broadcast %eq3A_208 : i32 to vector<1024x1xi32>
    %eq3A_210 = arith.cmpi eq, %select_n3A, %eq3A_209 : vector<1024x1xi32>
    %slice3A_211 = vector.extract_strided_slice %get3A_196 {offsets = [1, 0], sizes = [1, 1152], strides = [1, 1]} : vector<8x1152xf32> to vector<1x1152xf32>
    %broadcast_in_dim3A_212 = vector.shape_cast %eq3A_210 : vector<1024x1xi1> to vector<1024x1xi1>
    %broadcast_in_dim3A_213 = vector.broadcast %broadcast_in_dim3A_212 : vector<1024x1xi1> to vector<1024x1152xi1>
    %broadcast_in_dim3A_214 = vector.shape_cast %slice3A_211 : vector<1x1152xf32> to vector<1x1152xf32>
    %broadcast_in_dim3A_215 = vector.broadcast %broadcast_in_dim3A_214 : vector<1x1152xf32> to vector<1024x1152xf32>
    %select_n3A_216 = arith.select %broadcast_in_dim3A_213, %broadcast_in_dim3A_215, %select_n3A_207 : vector<1024x1152xi1>, vector<1024x1152xf32>
    %eq3A_217 = arith.constant 2 : i32
    %eq3A_218 = vector.broadcast %eq3A_217 : i32 to vector<1024x1xi32>
    %eq3A_219 = arith.cmpi eq, %select_n3A, %eq3A_218 : vector<1024x1xi32>
    %slice3A_220 = vector.extract_strided_slice %get3A_196 {offsets = [2, 0], sizes = [1, 1152], strides = [1, 1]} : vector<8x1152xf32> to vector<1x1152xf32>
    %broadcast_in_dim3A_221 = vector.shape_cast %eq3A_219 : vector<1024x1xi1> to vector<1024x1xi1>
    %broadcast_in_dim3A_222 = vector.broadcast %broadcast_in_dim3A_221 : vector<1024x1xi1> to vector<1024x1152xi1>
    %broadcast_in_dim3A_223 = vector.shape_cast %slice3A_220 : vector<1x1152xf32> to vector<1x1152xf32>
    %broadcast_in_dim3A_224 = vector.broadcast %broadcast_in_dim3A_223 : vector<1x1152xf32> to vector<1024x1152xf32>
    %select_n3A_225 = arith.select %broadcast_in_dim3A_222, %broadcast_in_dim3A_224, %select_n3A_216 : vector<1024x1152xi1>, vector<1024x1152xf32>
    %eq3A_226 = arith.constant 3 : i32
    %eq3A_227 = vector.broadcast %eq3A_226 : i32 to vector<1024x1xi32>
    %eq3A_228 = arith.cmpi eq, %select_n3A, %eq3A_227 : vector<1024x1xi32>
    %slice3A_229 = vector.extract_strided_slice %get3A_196 {offsets = [3, 0], sizes = [1, 1152], strides = [1, 1]} : vector<8x1152xf32> to vector<1x1152xf32>
    %broadcast_in_dim3A_230 = vector.shape_cast %eq3A_228 : vector<1024x1xi1> to vector<1024x1xi1>
    %broadcast_in_dim3A_231 = vector.broadcast %broadcast_in_dim3A_230 : vector<1024x1xi1> to vector<1024x1152xi1>
    %broadcast_in_dim3A_232 = vector.shape_cast %slice3A_229 : vector<1x1152xf32> to vector<1x1152xf32>
    %broadcast_in_dim3A_233 = vector.broadcast %broadcast_in_dim3A_232 : vector<1x1152xf32> to vector<1024x1152xf32>
    %select_n3A_234 = arith.select %broadcast_in_dim3A_231, %broadcast_in_dim3A_233, %select_n3A_225 : vector<1024x1152xi1>, vector<1024x1152xf32>
    %eq3A_235 = arith.constant 4 : i32
    %eq3A_236 = vector.broadcast %eq3A_235 : i32 to vector<1024x1xi32>
    %eq3A_237 = arith.cmpi eq, %select_n3A, %eq3A_236 : vector<1024x1xi32>
    %slice3A_238 = vector.extract_strided_slice %get3A_196 {offsets = [4, 0], sizes = [1, 1152], strides = [1, 1]} : vector<8x1152xf32> to vector<1x1152xf32>
    %broadcast_in_dim3A_239 = vector.shape_cast %eq3A_237 : vector<1024x1xi1> to vector<1024x1xi1>
    %broadcast_in_dim3A_240 = vector.broadcast %broadcast_in_dim3A_239 : vector<1024x1xi1> to vector<1024x1152xi1>
    %broadcast_in_dim3A_241 = vector.shape_cast %slice3A_238 : vector<1x1152xf32> to vector<1x1152xf32>
    %broadcast_in_dim3A_242 = vector.broadcast %broadcast_in_dim3A_241 : vector<1x1152xf32> to vector<1024x1152xf32>
    %select_n3A_243 = arith.select %broadcast_in_dim3A_240, %broadcast_in_dim3A_242, %select_n3A_234 : vector<1024x1152xi1>, vector<1024x1152xf32>
    %eq3A_244 = arith.constant 5 : i32
    %eq3A_245 = vector.broadcast %eq3A_244 : i32 to vector<1024x1xi32>
    %eq3A_246 = arith.cmpi eq, %select_n3A, %eq3A_245 : vector<1024x1xi32>
    %slice3A_247 = vector.extract_strided_slice %get3A_196 {offsets = [5, 0], sizes = [1, 1152], strides = [1, 1]} : vector<8x1152xf32> to vector<1x1152xf32>
    %broadcast_in_dim3A_248 = vector.shape_cast %eq3A_246 : vector<1024x1xi1> to vector<1024x1xi1>
    %broadcast_in_dim3A_249 = vector.broadcast %broadcast_in_dim3A_248 : vector<1024x1xi1> to vector<1024x1152xi1>
    %broadcast_in_dim3A_250 = vector.shape_cast %slice3A_247 : vector<1x1152xf32> to vector<1x1152xf32>
    %broadcast_in_dim3A_251 = vector.broadcast %broadcast_in_dim3A_250 : vector<1x1152xf32> to vector<1024x1152xf32>
    %select_n3A_252 = arith.select %broadcast_in_dim3A_249, %broadcast_in_dim3A_251, %select_n3A_243 : vector<1024x1152xi1>, vector<1024x1152xf32>
    %eq3A_253 = arith.constant 6 : i32
    %eq3A_254 = vector.broadcast %eq3A_253 : i32 to vector<1024x1xi32>
    %eq3A_255 = arith.cmpi eq, %select_n3A, %eq3A_254 : vector<1024x1xi32>
    %slice3A_256 = vector.extract_strided_slice %get3A_196 {offsets = [6, 0], sizes = [1, 1152], strides = [1, 1]} : vector<8x1152xf32> to vector<1x1152xf32>
    %broadcast_in_dim3A_257 = vector.shape_cast %eq3A_255 : vector<1024x1xi1> to vector<1024x1xi1>
    %broadcast_in_dim3A_258 = vector.broadcast %broadcast_in_dim3A_257 : vector<1024x1xi1> to vector<1024x1152xi1>
    %broadcast_in_dim3A_259 = vector.shape_cast %slice3A_256 : vector<1x1152xf32> to vector<1x1152xf32>
    %broadcast_in_dim3A_260 = vector.broadcast %broadcast_in_dim3A_259 : vector<1x1152xf32> to vector<1024x1152xf32>
    %select_n3A_261 = arith.select %broadcast_in_dim3A_258, %broadcast_in_dim3A_260, %select_n3A_252 : vector<1024x1152xi1>, vector<1024x1152xf32>
    %eq3A_262 = arith.constant 7 : i32
    %eq3A_263 = vector.broadcast %eq3A_262 : i32 to vector<1024x1xi32>
    %eq3A_264 = arith.cmpi eq, %select_n3A, %eq3A_263 : vector<1024x1xi32>
    %slice3A_265 = vector.extract_strided_slice %get3A_196 {offsets = [7, 0], sizes = [1, 1152], strides = [1, 1]} : vector<8x1152xf32> to vector<1x1152xf32>
    %broadcast_in_dim3A_266 = vector.shape_cast %eq3A_264 : vector<1024x1xi1> to vector<1024x1xi1>
    %broadcast_in_dim3A_267 = vector.broadcast %broadcast_in_dim3A_266 : vector<1024x1xi1> to vector<1024x1152xi1>
    %broadcast_in_dim3A_268 = vector.shape_cast %slice3A_265 : vector<1x1152xf32> to vector<1x1152xf32>
    %broadcast_in_dim3A_269 = vector.broadcast %broadcast_in_dim3A_268 : vector<1x1152xf32> to vector<1024x1152xf32>
    %select_n3A_270 = arith.select %broadcast_in_dim3A_267, %broadcast_in_dim3A_269, %select_n3A_261 : vector<1024x1152xi1>, vector<1024x1152xf32>
    %mul3A_271 = arith.mulf %select_n3A_270, %convert_element_type3A_29 : vector<1024x1152xf32>
    %reduce_sum3A_272 = arith.constant dense<0.000000e+00> : vector<1024xf32>
    %reduce_sum3A_273 = vector.multi_reduction <add>, %mul3A_271, %reduce_sum3A_272 [1] : vector<1024x1152xf32> to vector<1024xf32>
    %broadcast_in_dim3A_274 = vector.shape_cast %reduce_sum3A_273 : vector<1024xf32> to vector<1024x1xf32>
    %swap3A_275 = arith.constant 0 : index
    %swap3A_276 = arith.constant 0 : index
    %swap3A_277 = vector.load %arg7[%swap3A_275, %swap3A_276] : memref<1024x1xf32, #tpu.memory_space<vmem>>, vector<1024x1xf32>
    tpu.vector_store %arg7[%swap3A_275, %swap3A_276], %broadcast_in_dim3A_274 {strides = array<i32>} : memref<1024x1xf32, #tpu.memory_space<vmem>>, vector<1024x1xf32>,
    %get3A_278 = arith.constant 0 : index
    %get3A_279 = arith.constant 0 : index
    %get3A_280 = vector.load %arg4[%get3A_278, %get3A_279] : memref<8x1152xf32, #tpu.memory_space<vmem>>, vector<8x1152xf32>
    %broadcast_in_dim3A_281 = arith.constant 0.000000e+00 : f32
    %broadcast_in_dim3A_282 = vector.broadcast %broadcast_in_dim3A_281 : f32 to vector<1024x1152xf32>
    %eq3A_283 = arith.constant 0 : i32
    %eq3A_284 = vector.broadcast %eq3A_283 : i32 to vector<1024x1xi32>
    %eq3A_285 = arith.cmpi eq, %select_n3A, %eq3A_284 : vector<1024x1xi32>
    %slice3A_286 = vector.extract_strided_slice %get3A_280 {offsets = [0, 0], sizes = [1, 1152], strides = [1, 1]} : vector<8x1152xf32> to vector<1x1152xf32>
    %broadcast_in_dim3A_287 = vector.shape_cast %eq3A_285 : vector<1024x1xi1> to vector<1024x1xi1>
    %broadcast_in_dim3A_288 = vector.broadcast %broadcast_in_dim3A_287 : vector<1024x1xi1> to vector<1024x1152xi1>
    %broadcast_in_dim3A_289 = vector.shape_cast %slice3A_286 : vector<1x1152xf32> to vector<1x1152xf32>
    %broadcast_in_dim3A_290 = vector.broadcast %broadcast_in_dim3A_289 : vector<1x1152xf32> to vector<1024x1152xf32>
    %select_n3A_291 = arith.select %broadcast_in_dim3A_288, %broadcast_in_dim3A_290, %broadcast_in_dim3A_282 : vector<1024x1152xi1>, vector<1024x1152xf32>
    %eq3A_292 = arith.constant 1 : i32
    %eq3A_293 = vector.broadcast %eq3A_292 : i32 to vector<1024x1xi32>
    %eq3A_294 = arith.cmpi eq, %select_n3A, %eq3A_293 : vector<1024x1xi32>
    %slice3A_295 = vector.extract_strided_slice %get3A_280 {offsets = [1, 0], sizes = [1, 1152], strides = [1, 1]} : vector<8x1152xf32> to vector<1x1152xf32>
    %broadcast_in_dim3A_296 = vector.shape_cast %eq3A_294 : vector<1024x1xi1> to vector<1024x1xi1>
    %broadcast_in_dim3A_297 = vector.broadcast %broadcast_in_dim3A_296 : vector<1024x1xi1> to vector<1024x1152xi1>
    %broadcast_in_dim3A_298 = vector.shape_cast %slice3A_295 : vector<1x1152xf32> to vector<1x1152xf32>
    %broadcast_in_dim3A_299 = vector.broadcast %broadcast_in_dim3A_298 : vector<1x1152xf32> to vector<1024x1152xf32>
    %select_n3A_300 = arith.select %broadcast_in_dim3A_297, %broadcast_in_dim3A_299, %select_n3A_291 : vector<1024x1152xi1>, vector<1024x1152xf32>
    %eq3A_301 = arith.constant 2 : i32
    %eq3A_302 = vector.broadcast %eq3A_301 : i32 to vector<1024x1xi32>
    %eq3A_303 = arith.cmpi eq, %select_n3A, %eq3A_302 : vector<1024x1xi32>
    %slice3A_304 = vector.extract_strided_slice %get3A_280 {offsets = [2, 0], sizes = [1, 1152], strides = [1, 1]} : vector<8x1152xf32> to vector<1x1152xf32>
    %broadcast_in_dim3A_305 = vector.shape_cast %eq3A_303 : vector<1024x1xi1> to vector<1024x1xi1>
    %broadcast_in_dim3A_306 = vector.broadcast %broadcast_in_dim3A_305 : vector<1024x1xi1> to vector<1024x1152xi1>
    %broadcast_in_dim3A_307 = vector.shape_cast %slice3A_304 : vector<1x1152xf32> to vector<1x1152xf32>
    %broadcast_in_dim3A_308 = vector.broadcast %broadcast_in_dim3A_307 : vector<1x1152xf32> to vector<1024x1152xf32>
    %select_n3A_309 = arith.select %broadcast_in_dim3A_306, %broadcast_in_dim3A_308, %select_n3A_300 : vector<1024x1152xi1>, vector<1024x1152xf32>
    %eq3A_310 = arith.constant 3 : i32
    %eq3A_311 = vector.broadcast %eq3A_310 : i32 to vector<1024x1xi32>
    %eq3A_312 = arith.cmpi eq, %select_n3A, %eq3A_311 : vector<1024x1xi32>
    %slice3A_313 = vector.extract_strided_slice %get3A_280 {offsets = [3, 0], sizes = [1, 1152], strides = [1, 1]} : vector<8x1152xf32> to vector<1x1152xf32>
    %broadcast_in_dim3A_314 = vector.shape_cast %eq3A_312 : vector<1024x1xi1> to vector<1024x1xi1>
    %broadcast_in_dim3A_315 = vector.broadcast %broadcast_in_dim3A_314 : vector<1024x1xi1> to vector<1024x1152xi1>
    %broadcast_in_dim3A_316 = vector.shape_cast %slice3A_313 : vector<1x1152xf32> to vector<1x1152xf32>
    %broadcast_in_dim3A_317 = vector.broadcast %broadcast_in_dim3A_316 : vector<1x1152xf32> to vector<1024x1152xf32>
    %select_n3A_318 = arith.select %broadcast_in_dim3A_315, %broadcast_in_dim3A_317, %select_n3A_309 : vector<1024x1152xi1>, vector<1024x1152xf32>
    %eq3A_319 = arith.constant 4 : i32
    %eq3A_320 = vector.broadcast %eq3A_319 : i32 to vector<1024x1xi32>
    %eq3A_321 = arith.cmpi eq, %select_n3A, %eq3A_320 : vector<1024x1xi32>
    %slice3A_322 = vector.extract_strided_slice %get3A_280 {offsets = [4, 0], sizes = [1, 1152], strides = [1, 1]} : vector<8x1152xf32> to vector<1x1152xf32>
    %broadcast_in_dim3A_323 = vector.shape_cast %eq3A_321 : vector<1024x1xi1> to vector<1024x1xi1>
    %broadcast_in_dim3A_324 = vector.broadcast %broadcast_in_dim3A_323 : vector<1024x1xi1> to vector<1024x1152xi1>
    %broadcast_in_dim3A_325 = vector.shape_cast %slice3A_322 : vector<1x1152xf32> to vector<1x1152xf32>
    %broadcast_in_dim3A_326 = vector.broadcast %broadcast_in_dim3A_325 : vector<1x1152xf32> to vector<1024x1152xf32>
    %select_n3A_327 = arith.select %broadcast_in_dim3A_324, %broadcast_in_dim3A_326, %select_n3A_318 : vector<1024x1152xi1>, vector<1024x1152xf32>
    %eq3A_328 = arith.constant 5 : i32
    %eq3A_329 = vector.broadcast %eq3A_328 : i32 to vector<1024x1xi32>
    %eq3A_330 = arith.cmpi eq, %select_n3A, %eq3A_329 : vector<1024x1xi32>
    %slice3A_331 = vector.extract_strided_slice %get3A_280 {offsets = [5, 0], sizes = [1, 1152], strides = [1, 1]} : vector<8x1152xf32> to vector<1x1152xf32>
    %broadcast_in_dim3A_332 = vector.shape_cast %eq3A_330 : vector<1024x1xi1> to vector<1024x1xi1>
    %broadcast_in_dim3A_333 = vector.broadcast %broadcast_in_dim3A_332 : vector<1024x1xi1> to vector<1024x1152xi1>
    %broadcast_in_dim3A_334 = vector.shape_cast %slice3A_331 : vector<1x1152xf32> to vector<1x1152xf32>
    %broadcast_in_dim3A_335 = vector.broadcast %broadcast_in_dim3A_334 : vector<1x1152xf32> to vector<1024x1152xf32>
    %select_n3A_336 = arith.select %broadcast_in_dim3A_333, %broadcast_in_dim3A_335, %select_n3A_327 : vector<1024x1152xi1>, vector<1024x1152xf32>
    %eq3A_337 = arith.constant 6 : i32
    %eq3A_338 = vector.broadcast %eq3A_337 : i32 to vector<1024x1xi32>
    %eq3A_339 = arith.cmpi eq, %select_n3A, %eq3A_338 : vector<1024x1xi32>
    %slice3A_340 = vector.extract_strided_slice %get3A_280 {offsets = [6, 0], sizes = [1, 1152], strides = [1, 1]} : vector<8x1152xf32> to vector<1x1152xf32>
    %broadcast_in_dim3A_341 = vector.shape_cast %eq3A_339 : vector<1024x1xi1> to vector<1024x1xi1>
    %broadcast_in_dim3A_342 = vector.broadcast %broadcast_in_dim3A_341 : vector<1024x1xi1> to vector<1024x1152xi1>
    %broadcast_in_dim3A_343 = vector.shape_cast %slice3A_340 : vector<1x1152xf32> to vector<1x1152xf32>
    %broadcast_in_dim3A_344 = vector.broadcast %broadcast_in_dim3A_343 : vector<1x1152xf32> to vector<1024x1152xf32>
    %select_n3A_345 = arith.select %broadcast_in_dim3A_342, %broadcast_in_dim3A_344, %select_n3A_336 : vector<1024x1152xi1>, vector<1024x1152xf32>
    %eq3A_346 = arith.constant 7 : i32
    %eq3A_347 = vector.broadcast %eq3A_346 : i32 to vector<1024x1xi32>
    %eq3A_348 = arith.cmpi eq, %select_n3A, %eq3A_347 : vector<1024x1xi32>
    %slice3A_349 = vector.extract_strided_slice %get3A_280 {offsets = [7, 0], sizes = [1, 1152], strides = [1, 1]} : vector<8x1152xf32> to vector<1x1152xf32>
    %broadcast_in_dim3A_350 = vector.shape_cast %eq3A_348 : vector<1024x1xi1> to vector<1024x1xi1>
    %broadcast_in_dim3A_351 = vector.broadcast %broadcast_in_dim3A_350 : vector<1024x1xi1> to vector<1024x1152xi1>
    %broadcast_in_dim3A_352 = vector.shape_cast %slice3A_349 : vector<1x1152xf32> to vector<1x1152xf32>
    %broadcast_in_dim3A_353 = vector.broadcast %broadcast_in_dim3A_352 : vector<1x1152xf32> to vector<1024x1152xf32>
    %select_n3A_354 = arith.select %broadcast_in_dim3A_351, %broadcast_in_dim3A_353, %select_n3A_345 : vector<1024x1152xi1>, vector<1024x1152xf32>
    %mul3A_355 = arith.mulf %select_n3A_354, %convert_element_type3A_29 : vector<1024x1152xf32>
    %reduce_sum3A_356 = arith.constant dense<0.000000e+00> : vector<1024xf32>
    %reduce_sum3A_357 = vector.multi_reduction <add>, %mul3A_355, %reduce_sum3A_356 [1] : vector<1024x1152xf32> to vector<1024xf32>
    %broadcast_in_dim3A_358 = vector.shape_cast %reduce_sum3A_357 : vector<1024xf32> to vector<1024x1xf32>
    %swap3A_359 = arith.constant 0 : index
    %swap3A_360 = arith.constant 0 : index
    %swap3A_361 = vector.load %arg8[%swap3A_359, %swap3A_360] : memref<1024x1xf32, #tpu.memory_space<vmem>>, vector<1024x1xf32>
    tpu.vector_store %arg8[%swap3A_359, %swap3A_360], %broadcast_in_dim3A_358 {strides = array<i32>} : memref<1024x1xf32, #tpu.memory_space<vmem>>, vector<1024x1xf32>,
    return
  }
}

module attributes {stable_mosaic.version = 14 : i64} {
  func.func @_kb3_body(%arg0: memref<1024x1xf32, #tpu.memory_space<vmem>>, %arg1: memref<1024x1xf32, #tpu.memory_space<vmem>>, %arg2: memref<1024x1xf32, #tpu.memory_space<vmem>>, %arg3: memref<1024x1xf32, #tpu.memory_space<vmem>>, %arg4: memref<1x1024xf32, #tpu.memory_space<vmem>>, %arg5: memref<1x1024xf32, #tpu.memory_space<vmem>>, %arg6: memref<1x1024xf32, #tpu.memory_space<vmem>>, %arg7: memref<1x1024xf32, #tpu.memory_space<vmem>>, %arg8: memref<1x1024xf32, #tpu.memory_space<vmem>>, %arg9: memref<8x128xi32, #tpu.memory_space<vmem>>, %arg10: memref<1024x1024xf32, #tpu.memory_space<vmem>>) attributes {dimension_semantics = [], scalar_prefetch = 0 : i64, scratch_operands = 1 : i64, tpu.core_type = #tpu.core_type<tc>} {
    %get3A = arith.constant 0 : index
    %get3A_0 = arith.constant 0 : index
    %get3A_1 = vector.load %arg0[%get3A, %get3A_0] : memref<1024x1xf32, #tpu.memory_space<vmem>>, vector<1024x1xf32>
    %get3A_2 = arith.constant 0 : index
    %get3A_3 = arith.constant 0 : index
    %get3A_4 = vector.load %arg1[%get3A_2, %get3A_3] : memref<1024x1xf32, #tpu.memory_space<vmem>>, vector<1024x1xf32>
    %get3A_5 = arith.constant 0 : index
    %get3A_6 = arith.constant 0 : index
    %get3A_7 = vector.load %arg2[%get3A_5, %get3A_6] : memref<1024x1xf32, #tpu.memory_space<vmem>>, vector<1024x1xf32>
    %get3A_8 = arith.constant 0 : index
    %get3A_9 = arith.constant 0 : index
    %get3A_10 = vector.load %arg3[%get3A_8, %get3A_9] : memref<1024x1xf32, #tpu.memory_space<vmem>>, vector<1024x1xf32>
    %get3A_11 = arith.constant 0 : index
    %get3A_12 = arith.constant 0 : index
    %get3A_13 = vector.load %arg4[%get3A_11, %get3A_12] : memref<1x1024xf32, #tpu.memory_space<vmem>>, vector<1x1024xf32>
    %get3A_14 = arith.constant 0 : index
    %get3A_15 = arith.constant 0 : index
    %get3A_16 = vector.load %arg5[%get3A_14, %get3A_15] : memref<1x1024xf32, #tpu.memory_space<vmem>>, vector<1x1024xf32>
    %get3A_17 = arith.constant 0 : index
    %get3A_18 = arith.constant 0 : index
    %get3A_19 = vector.load %arg6[%get3A_17, %get3A_18] : memref<1x1024xf32, #tpu.memory_space<vmem>>, vector<1x1024xf32>
    %get3A_20 = arith.constant 0 : index
    %get3A_21 = arith.constant 0 : index
    %get3A_22 = vector.load %arg7[%get3A_20, %get3A_21] : memref<1x1024xf32, #tpu.memory_space<vmem>>, vector<1x1024xf32>
    %sub3A = arith.subf %get3A_7, %get3A_1 : vector<1024x1xf32>
    %sub3A_23 = arith.subf %get3A_10, %get3A_4 : vector<1024x1xf32>
    %mul3A = arith.mulf %sub3A, %sub3A_23 : vector<1024x1xf32>
    %sub3A_24 = arith.subf %get3A_19, %get3A_13 : vector<1x1024xf32>
    %sub3A_25 = arith.subf %get3A_22, %get3A_16 : vector<1x1024xf32>
    %mul3A_26 = arith.mulf %sub3A_24, %sub3A_25 : vector<1x1024xf32>
    %max3A = vector.broadcast %get3A_1 : vector<1024x1xf32> to vector<1024x1024xf32>
    %max3A_27 = vector.broadcast %get3A_13 : vector<1x1024xf32> to vector<1024x1024xf32>
    %max3A_28 = arith.maximumf %max3A, %max3A_27 : vector<1024x1024xf32>
    %max3A_29 = vector.broadcast %get3A_4 : vector<1024x1xf32> to vector<1024x1024xf32>
    %max3A_30 = vector.broadcast %get3A_16 : vector<1x1024xf32> to vector<1024x1024xf32>
    %max3A_31 = arith.maximumf %max3A_29, %max3A_30 : vector<1024x1024xf32>
    %min3A = vector.broadcast %get3A_7 : vector<1024x1xf32> to vector<1024x1024xf32>
    %min3A_32 = vector.broadcast %get3A_19 : vector<1x1024xf32> to vector<1024x1024xf32>
    %min3A_33 = arith.minimumf %min3A, %min3A_32 : vector<1024x1024xf32>
    %min3A_34 = vector.broadcast %get3A_10 : vector<1024x1xf32> to vector<1024x1024xf32>
    %min3A_35 = vector.broadcast %get3A_22 : vector<1x1024xf32> to vector<1024x1024xf32>
    %min3A_36 = arith.minimumf %min3A_34, %min3A_35 : vector<1024x1024xf32>
    %sub3A_37 = arith.subf %min3A_33, %max3A_28 : vector<1024x1024xf32>
    %max3A_38 = arith.constant 0.000000e+00 : f32
    %max3A_39 = vector.broadcast %max3A_38 : f32 to vector<1024x1024xf32>
    %max3A_40 = arith.maximumf %sub3A_37, %max3A_39 : vector<1024x1024xf32>
    %sub3A_41 = arith.subf %min3A_36, %max3A_31 : vector<1024x1024xf32>
    %max3A_42 = arith.constant 0.000000e+00 : f32
    %max3A_43 = vector.broadcast %max3A_42 : f32 to vector<1024x1024xf32>
    %max3A_44 = arith.maximumf %sub3A_41, %max3A_43 : vector<1024x1024xf32>
    %mul3A_45 = arith.mulf %max3A_40, %max3A_44 : vector<1024x1024xf32>
    %add3A = vector.broadcast %mul3A : vector<1024x1xf32> to vector<1024x1024xf32>
    %add3A_46 = vector.broadcast %mul3A_26 : vector<1x1024xf32> to vector<1024x1024xf32>
    %add3A_47 = arith.addf %add3A, %add3A_46 : vector<1024x1024xf32>
    %sub3A_48 = arith.subf %add3A_47, %mul3A_45 : vector<1024x1024xf32>
    %add3A_49 = arith.constant 9.99999997E-7 : f32
    %add3A_50 = vector.broadcast %add3A_49 : f32 to vector<1024x1024xf32>
    %add3A_51 = arith.addf %sub3A_48, %add3A_50 : vector<1024x1024xf32>
    %div3A = arith.divf %mul3A_45, %add3A_51 : vector<1024x1024xf32>
    %iota3A = tpu.iota {dimensions = array<i32: 0>} : vector<1024x1024xi32>
    %iota3A_52 = tpu.iota {dimensions = array<i32: 1>} : vector<1024x1024xi32>
    %gt3A = arith.constant 0.699999988 : f32
    %gt3A_53 = vector.broadcast %gt3A : f32 to vector<1024x1024xf32>
    %gt3A_54 = arith.cmpf ogt, %div3A, %gt3A_53 : vector<1024x1024xf32>
    %gt3A_55 = arith.cmpi sgt, %iota3A_52, %iota3A : vector<1024x1024xi32>
    %and3A = arith.andi %gt3A_54, %gt3A_55 : vector<1024x1024xi1>
    %convert_element_type3A = arith.extui %and3A : vector<1024x1024xi1> to vector<1024x1024xi32>
    %convert_element_type3A_56 = arith.sitofp %convert_element_type3A : vector<1024x1024xi32> to vector<1024x1024xf32>
    %swap3A = arith.constant 0 : index
    %swap3A_57 = arith.constant 0 : index
    %swap3A_58 = vector.load %arg10[%swap3A, %swap3A_57] : memref<1024x1024xf32, #tpu.memory_space<vmem>>, vector<1024x1024xf32>
    tpu.vector_store %arg10[%swap3A, %swap3A_57], %convert_element_type3A_56 {strides = array<i32>} : memref<1024x1024xf32, #tpu.memory_space<vmem>>, vector<1024x1024xf32>,
    %iota3A_59 = tpu.iota {dimensions = array<i32: 1>} : vector<1x1024xi32>
    %lt3A = arith.constant 1000 : i32
    %lt3A_60 = vector.broadcast %lt3A : i32 to vector<1x1024xi32>
    %lt3A_61 = arith.cmpi slt, %iota3A_59, %lt3A_60 : vector<1x1024xi32>
    %convert_element_type3A_62 = arith.extui %lt3A_61 : vector<1x1024xi1> to vector<1x1024xi32>
    %convert_element_type3A_63 = arith.sitofp %convert_element_type3A_62 : vector<1x1024xi32> to vector<1x1024xf32>
    %scan3A = arith.constant 0 : i32
    %scan3A_64 = arith.constant 128 : i32
    %scan3A_65 = arith.addi %scan3A, %scan3A_64 : i32
    %scan3A_66 = arith.constant 1 : i32
    %scan3A_67 = scf.for %scan3A_96 = %scan3A to %scan3A_65 step %scan3A_66 iter_args(%scan3A_97 = %convert_element_type3A_63) -> (vector<1x1024xf32>)  : i32 {
      %mul3A_98 = arith.constant 8 : i32
      %mul3A_99 = arith.muli %scan3A_96, %mul3A_98 : i32
      %get3A_100 = arith.index_cast %mul3A_99 : i32 to index
      %get3A_101 = arith.constant 0 : index
      %get3A_102 = vector.load %arg10[%get3A_100, %get3A_101] : memref<1024x1024xf32, #tpu.memory_space<vmem>>, vector<8x1024xf32>
      %mul3A_103 = arith.constant 8 : i32
      %mul3A_104 = arith.muli %scan3A_96, %mul3A_103 : i32
      %add3A_105 = arith.constant 0 : i32
      %add3A_106 = arith.addi %mul3A_104, %add3A_105 : i32
      %slice3A = vector.extract_strided_slice %get3A_102 {offsets = [0, 0], sizes = [1, 1024], strides = [1, 1]} : vector<8x1024xf32> to vector<1x1024xf32>
      %eq3A = vector.broadcast %add3A_106 : i32 to vector<1x1024xi32>
      %eq3A_107 = arith.cmpi eq, %iota3A_59, %eq3A : vector<1x1024xi32>
      %jit3A_108 = arith.constant 0.000000e+00 : f32
      %broadcast_in_dim3A_109 = vector.broadcast %jit3A_108 : f32 to vector<1x1024xf32>
      %select_n3A_110 = arith.select %eq3A_107, %scan3A_97, %broadcast_in_dim3A_109 : vector<1x1024xi1>, vector<1x1024xf32>
      %reduce_sum3A = vector.shape_cast %select_n3A_110 : vector<1x1024xf32> to vector<1x1x1024xf32>
      %reduce_sum3A_111 = arith.constant dense<0.000000e+00> : vector<1xf32>
      %reduce_sum3A_112 = vector.multi_reduction <add>, %reduce_sum3A, %reduce_sum3A_111 [1, 2] : vector<1x1x1024xf32> to vector<1xf32>
      %reduce_sum3A_113 = vector.shape_cast %reduce_sum3A_112 : vector<1xf32> to vector<1x1x1xf32>
      %reduce_sum3A_114 = vector.extract %reduce_sum3A_113[0, 0, 0] : f32 from vector<1x1x1xf32>
      %mul3A_115 = arith.mulf %slice3A, %scan3A_97 : vector<1x1024xf32>
      %mul3A_116 = vector.broadcast %reduce_sum3A_114 : f32 to vector<1x1024xf32>
      %mul3A_117 = arith.mulf %mul3A_115, %mul3A_116 : vector<1x1024xf32>
      %sub3A_118 = arith.constant 1.000000e+00 : f32
      %sub3A_119 = vector.broadcast %sub3A_118 : f32 to vector<1x1024xf32>
      %sub3A_120 = arith.subf %sub3A_119, %mul3A_117 : vector<1x1024xf32>
      %mul3A_121 = arith.mulf %scan3A_97, %sub3A_120 : vector<1x1024xf32>
      %mul3A_122 = arith.constant 8 : i32
      %mul3A_123 = arith.muli %scan3A_96, %mul3A_122 : i32
      %add3A_124 = arith.constant 1 : i32
      %add3A_125 = arith.addi %mul3A_123, %add3A_124 : i32
      %slice3A_126 = vector.extract_strided_slice %get3A_102 {offsets = [1, 0], sizes = [1, 1024], strides = [1, 1]} : vector<8x1024xf32> to vector<1x1024xf32>
      %eq3A_127 = vector.broadcast %add3A_125 : i32 to vector<1x1024xi32>
      %eq3A_128 = arith.cmpi eq, %iota3A_59, %eq3A_127 : vector<1x1024xi32>
      %jit3A_129 = arith.constant 0.000000e+00 : f32
      %broadcast_in_dim3A_130 = vector.broadcast %jit3A_129 : f32 to vector<1x1024xf32>
      %select_n3A_131 = arith.select %eq3A_128, %mul3A_121, %broadcast_in_dim3A_130 : vector<1x1024xi1>, vector<1x1024xf32>
      %reduce_sum3A_132 = vector.shape_cast %select_n3A_131 : vector<1x1024xf32> to vector<1x1x1024xf32>
      %reduce_sum3A_133 = arith.constant dense<0.000000e+00> : vector<1xf32>
      %reduce_sum3A_134 = vector.multi_reduction <add>, %reduce_sum3A_132, %reduce_sum3A_133 [1, 2] : vector<1x1x1024xf32> to vector<1xf32>
      %reduce_sum3A_135 = vector.shape_cast %reduce_sum3A_134 : vector<1xf32> to vector<1x1x1xf32>
      %reduce_sum3A_136 = vector.extract %reduce_sum3A_135[0, 0, 0] : f32 from vector<1x1x1xf32>
      %mul3A_137 = arith.mulf %slice3A_126, %mul3A_121 : vector<1x1024xf32>
      %mul3A_138 = vector.broadcast %reduce_sum3A_136 : f32 to vector<1x1024xf32>
      %mul3A_139 = arith.mulf %mul3A_137, %mul3A_138 : vector<1x1024xf32>
      %sub3A_140 = arith.constant 1.000000e+00 : f32
      %sub3A_141 = vector.broadcast %sub3A_140 : f32 to vector<1x1024xf32>
      %sub3A_142 = arith.subf %sub3A_141, %mul3A_139 : vector<1x1024xf32>
      %mul3A_143 = arith.mulf %mul3A_121, %sub3A_142 : vector<1x1024xf32>
      %mul3A_144 = arith.constant 8 : i32
      %mul3A_145 = arith.muli %scan3A_96, %mul3A_144 : i32
      %add3A_146 = arith.constant 2 : i32
      %add3A_147 = arith.addi %mul3A_145, %add3A_146 : i32
      %slice3A_148 = vector.extract_strided_slice %get3A_102 {offsets = [2, 0], sizes = [1, 1024], strides = [1, 1]} : vector<8x1024xf32> to vector<1x1024xf32>
      %eq3A_149 = vector.broadcast %add3A_147 : i32 to vector<1x1024xi32>
      %eq3A_150 = arith.cmpi eq, %iota3A_59, %eq3A_149 : vector<1x1024xi32>
      %jit3A_151 = arith.constant 0.000000e+00 : f32
      %broadcast_in_dim3A_152 = vector.broadcast %jit3A_151 : f32 to vector<1x1024xf32>
      %select_n3A_153 = arith.select %eq3A_150, %mul3A_143, %broadcast_in_dim3A_152 : vector<1x1024xi1>, vector<1x1024xf32>
      %reduce_sum3A_154 = vector.shape_cast %select_n3A_153 : vector<1x1024xf32> to vector<1x1x1024xf32>
      %reduce_sum3A_155 = arith.constant dense<0.000000e+00> : vector<1xf32>
      %reduce_sum3A_156 = vector.multi_reduction <add>, %reduce_sum3A_154, %reduce_sum3A_155 [1, 2] : vector<1x1x1024xf32> to vector<1xf32>
      %reduce_sum3A_157 = vector.shape_cast %reduce_sum3A_156 : vector<1xf32> to vector<1x1x1xf32>
      %reduce_sum3A_158 = vector.extract %reduce_sum3A_157[0, 0, 0] : f32 from vector<1x1x1xf32>
      %mul3A_159 = arith.mulf %slice3A_148, %mul3A_143 : vector<1x1024xf32>
      %mul3A_160 = vector.broadcast %reduce_sum3A_158 : f32 to vector<1x1024xf32>
      %mul3A_161 = arith.mulf %mul3A_159, %mul3A_160 : vector<1x1024xf32>
      %sub3A_162 = arith.constant 1.000000e+00 : f32
      %sub3A_163 = vector.broadcast %sub3A_162 : f32 to vector<1x1024xf32>
      %sub3A_164 = arith.subf %sub3A_163, %mul3A_161 : vector<1x1024xf32>
      %mul3A_165 = arith.mulf %mul3A_143, %sub3A_164 : vector<1x1024xf32>
      %mul3A_166 = arith.constant 8 : i32
      %mul3A_167 = arith.muli %scan3A_96, %mul3A_166 : i32
      %add3A_168 = arith.constant 3 : i32
      %add3A_169 = arith.addi %mul3A_167, %add3A_168 : i32
      %slice3A_170 = vector.extract_strided_slice %get3A_102 {offsets = [3, 0], sizes = [1, 1024], strides = [1, 1]} : vector<8x1024xf32> to vector<1x1024xf32>
      %eq3A_171 = vector.broadcast %add3A_169 : i32 to vector<1x1024xi32>
      %eq3A_172 = arith.cmpi eq, %iota3A_59, %eq3A_171 : vector<1x1024xi32>
      %jit3A_173 = arith.constant 0.000000e+00 : f32
      %broadcast_in_dim3A_174 = vector.broadcast %jit3A_173 : f32 to vector<1x1024xf32>
      %select_n3A_175 = arith.select %eq3A_172, %mul3A_165, %broadcast_in_dim3A_174 : vector<1x1024xi1>, vector<1x1024xf32>
      %reduce_sum3A_176 = vector.shape_cast %select_n3A_175 : vector<1x1024xf32> to vector<1x1x1024xf32>
      %reduce_sum3A_177 = arith.constant dense<0.000000e+00> : vector<1xf32>
      %reduce_sum3A_178 = vector.multi_reduction <add>, %reduce_sum3A_176, %reduce_sum3A_177 [1, 2] : vector<1x1x1024xf32> to vector<1xf32>
      %reduce_sum3A_179 = vector.shape_cast %reduce_sum3A_178 : vector<1xf32> to vector<1x1x1xf32>
      %reduce_sum3A_180 = vector.extract %reduce_sum3A_179[0, 0, 0] : f32 from vector<1x1x1xf32>
      %mul3A_181 = arith.mulf %slice3A_170, %mul3A_165 : vector<1x1024xf32>
      %mul3A_182 = vector.broadcast %reduce_sum3A_180 : f32 to vector<1x1024xf32>
      %mul3A_183 = arith.mulf %mul3A_181, %mul3A_182 : vector<1x1024xf32>
      %sub3A_184 = arith.constant 1.000000e+00 : f32
      %sub3A_185 = vector.broadcast %sub3A_184 : f32 to vector<1x1024xf32>
      %sub3A_186 = arith.subf %sub3A_185, %mul3A_183 : vector<1x1024xf32>
      %mul3A_187 = arith.mulf %mul3A_165, %sub3A_186 : vector<1x1024xf32>
      %mul3A_188 = arith.constant 8 : i32
      %mul3A_189 = arith.muli %scan3A_96, %mul3A_188 : i32
      %add3A_190 = arith.constant 4 : i32
      %add3A_191 = arith.addi %mul3A_189, %add3A_190 : i32
      %slice3A_192 = vector.extract_strided_slice %get3A_102 {offsets = [4, 0], sizes = [1, 1024], strides = [1, 1]} : vector<8x1024xf32> to vector<1x1024xf32>
      %eq3A_193 = vector.broadcast %add3A_191 : i32 to vector<1x1024xi32>
      %eq3A_194 = arith.cmpi eq, %iota3A_59, %eq3A_193 : vector<1x1024xi32>
      %jit3A_195 = arith.constant 0.000000e+00 : f32
      %broadcast_in_dim3A_196 = vector.broadcast %jit3A_195 : f32 to vector<1x1024xf32>
      %select_n3A_197 = arith.select %eq3A_194, %mul3A_187, %broadcast_in_dim3A_196 : vector<1x1024xi1>, vector<1x1024xf32>
      %reduce_sum3A_198 = vector.shape_cast %select_n3A_197 : vector<1x1024xf32> to vector<1x1x1024xf32>
      %reduce_sum3A_199 = arith.constant dense<0.000000e+00> : vector<1xf32>
      %reduce_sum3A_200 = vector.multi_reduction <add>, %reduce_sum3A_198, %reduce_sum3A_199 [1, 2] : vector<1x1x1024xf32> to vector<1xf32>
      %reduce_sum3A_201 = vector.shape_cast %reduce_sum3A_200 : vector<1xf32> to vector<1x1x1xf32>
      %reduce_sum3A_202 = vector.extract %reduce_sum3A_201[0, 0, 0] : f32 from vector<1x1x1xf32>
      %mul3A_203 = arith.mulf %slice3A_192, %mul3A_187 : vector<1x1024xf32>
      %mul3A_204 = vector.broadcast %reduce_sum3A_202 : f32 to vector<1x1024xf32>
      %mul3A_205 = arith.mulf %mul3A_203, %mul3A_204 : vector<1x1024xf32>
      %sub3A_206 = arith.constant 1.000000e+00 : f32
      %sub3A_207 = vector.broadcast %sub3A_206 : f32 to vector<1x1024xf32>
      %sub3A_208 = arith.subf %sub3A_207, %mul3A_205 : vector<1x1024xf32>
      %mul3A_209 = arith.mulf %mul3A_187, %sub3A_208 : vector<1x1024xf32>
      %mul3A_210 = arith.constant 8 : i32
      %mul3A_211 = arith.muli %scan3A_96, %mul3A_210 : i32
      %add3A_212 = arith.constant 5 : i32
      %add3A_213 = arith.addi %mul3A_211, %add3A_212 : i32
      %slice3A_214 = vector.extract_strided_slice %get3A_102 {offsets = [5, 0], sizes = [1, 1024], strides = [1, 1]} : vector<8x1024xf32> to vector<1x1024xf32>
      %eq3A_215 = vector.broadcast %add3A_213 : i32 to vector<1x1024xi32>
      %eq3A_216 = arith.cmpi eq, %iota3A_59, %eq3A_215 : vector<1x1024xi32>
      %jit3A_217 = arith.constant 0.000000e+00 : f32
      %broadcast_in_dim3A_218 = vector.broadcast %jit3A_217 : f32 to vector<1x1024xf32>
      %select_n3A_219 = arith.select %eq3A_216, %mul3A_209, %broadcast_in_dim3A_218 : vector<1x1024xi1>, vector<1x1024xf32>
      %reduce_sum3A_220 = vector.shape_cast %select_n3A_219 : vector<1x1024xf32> to vector<1x1x1024xf32>
      %reduce_sum3A_221 = arith.constant dense<0.000000e+00> : vector<1xf32>
      %reduce_sum3A_222 = vector.multi_reduction <add>, %reduce_sum3A_220, %reduce_sum3A_221 [1, 2] : vector<1x1x1024xf32> to vector<1xf32>
      %reduce_sum3A_223 = vector.shape_cast %reduce_sum3A_222 : vector<1xf32> to vector<1x1x1xf32>
      %reduce_sum3A_224 = vector.extract %reduce_sum3A_223[0, 0, 0] : f32 from vector<1x1x1xf32>
      %mul3A_225 = arith.mulf %slice3A_214, %mul3A_209 : vector<1x1024xf32>
      %mul3A_226 = vector.broadcast %reduce_sum3A_224 : f32 to vector<1x1024xf32>
      %mul3A_227 = arith.mulf %mul3A_225, %mul3A_226 : vector<1x1024xf32>
      %sub3A_228 = arith.constant 1.000000e+00 : f32
      %sub3A_229 = vector.broadcast %sub3A_228 : f32 to vector<1x1024xf32>
      %sub3A_230 = arith.subf %sub3A_229, %mul3A_227 : vector<1x1024xf32>
      %mul3A_231 = arith.mulf %mul3A_209, %sub3A_230 : vector<1x1024xf32>
      %mul3A_232 = arith.constant 8 : i32
      %mul3A_233 = arith.muli %scan3A_96, %mul3A_232 : i32
      %add3A_234 = arith.constant 6 : i32
      %add3A_235 = arith.addi %mul3A_233, %add3A_234 : i32
      %slice3A_236 = vector.extract_strided_slice %get3A_102 {offsets = [6, 0], sizes = [1, 1024], strides = [1, 1]} : vector<8x1024xf32> to vector<1x1024xf32>
      %eq3A_237 = vector.broadcast %add3A_235 : i32 to vector<1x1024xi32>
      %eq3A_238 = arith.cmpi eq, %iota3A_59, %eq3A_237 : vector<1x1024xi32>
      %jit3A_239 = arith.constant 0.000000e+00 : f32
      %broadcast_in_dim3A_240 = vector.broadcast %jit3A_239 : f32 to vector<1x1024xf32>
      %select_n3A_241 = arith.select %eq3A_238, %mul3A_231, %broadcast_in_dim3A_240 : vector<1x1024xi1>, vector<1x1024xf32>
      %reduce_sum3A_242 = vector.shape_cast %select_n3A_241 : vector<1x1024xf32> to vector<1x1x1024xf32>
      %reduce_sum3A_243 = arith.constant dense<0.000000e+00> : vector<1xf32>
      %reduce_sum3A_244 = vector.multi_reduction <add>, %reduce_sum3A_242, %reduce_sum3A_243 [1, 2] : vector<1x1x1024xf32> to vector<1xf32>
      %reduce_sum3A_245 = vector.shape_cast %reduce_sum3A_244 : vector<1xf32> to vector<1x1x1xf32>
      %reduce_sum3A_246 = vector.extract %reduce_sum3A_245[0, 0, 0] : f32 from vector<1x1x1xf32>
      %mul3A_247 = arith.mulf %slice3A_236, %mul3A_231 : vector<1x1024xf32>
      %mul3A_248 = vector.broadcast %reduce_sum3A_246 : f32 to vector<1x1024xf32>
      %mul3A_249 = arith.mulf %mul3A_247, %mul3A_248 : vector<1x1024xf32>
      %sub3A_250 = arith.constant 1.000000e+00 : f32
      %sub3A_251 = vector.broadcast %sub3A_250 : f32 to vector<1x1024xf32>
      %sub3A_252 = arith.subf %sub3A_251, %mul3A_249 : vector<1x1024xf32>
      %mul3A_253 = arith.mulf %mul3A_231, %sub3A_252 : vector<1x1024xf32>
      %mul3A_254 = arith.constant 8 : i32
      %mul3A_255 = arith.muli %scan3A_96, %mul3A_254 : i32
      %add3A_256 = arith.constant 7 : i32
      %add3A_257 = arith.addi %mul3A_255, %add3A_256 : i32
      %slice3A_258 = vector.extract_strided_slice %get3A_102 {offsets = [7, 0], sizes = [1, 1024], strides = [1, 1]} : vector<8x1024xf32> to vector<1x1024xf32>
      %eq3A_259 = vector.broadcast %add3A_257 : i32 to vector<1x1024xi32>
      %eq3A_260 = arith.cmpi eq, %iota3A_59, %eq3A_259 : vector<1x1024xi32>
      %jit3A_261 = arith.constant 0.000000e+00 : f32
      %broadcast_in_dim3A_262 = vector.broadcast %jit3A_261 : f32 to vector<1x1024xf32>
      %select_n3A_263 = arith.select %eq3A_260, %mul3A_253, %broadcast_in_dim3A_262 : vector<1x1024xi1>, vector<1x1024xf32>
      %reduce_sum3A_264 = vector.shape_cast %select_n3A_263 : vector<1x1024xf32> to vector<1x1x1024xf32>
      %reduce_sum3A_265 = arith.constant dense<0.000000e+00> : vector<1xf32>
      %reduce_sum3A_266 = vector.multi_reduction <add>, %reduce_sum3A_264, %reduce_sum3A_265 [1, 2] : vector<1x1x1024xf32> to vector<1xf32>
      %reduce_sum3A_267 = vector.shape_cast %reduce_sum3A_266 : vector<1xf32> to vector<1x1x1xf32>
      %reduce_sum3A_268 = vector.extract %reduce_sum3A_267[0, 0, 0] : f32 from vector<1x1x1xf32>
      %mul3A_269 = arith.mulf %slice3A_258, %mul3A_253 : vector<1x1024xf32>
      %mul3A_270 = vector.broadcast %reduce_sum3A_268 : f32 to vector<1x1024xf32>
      %mul3A_271 = arith.mulf %mul3A_269, %mul3A_270 : vector<1x1024xf32>
      %sub3A_272 = arith.constant 1.000000e+00 : f32
      %sub3A_273 = vector.broadcast %sub3A_272 : f32 to vector<1x1024xf32>
      %sub3A_274 = arith.subf %sub3A_273, %mul3A_271 : vector<1x1024xf32>
      %mul3A_275 = arith.mulf %mul3A_253, %sub3A_274 : vector<1x1024xf32>
      scf.yield %mul3A_275 : vector<1x1024xf32>
    }
    %scan3A_68 = arith.constant 128 : i32
    %gt3A_69 = arith.constant 0.000000e+00 : f32
    %gt3A_70 = vector.broadcast %gt3A_69 : f32 to vector<1x1024xf32>
    %gt3A_71 = arith.cmpf ogt, %scan3A_67, %gt3A_70 : vector<1x1024xf32>
    %lt3A_72 = arith.constant 1000 : i32
    %lt3A_73 = vector.broadcast %lt3A_72 : i32 to vector<1x1024xi32>
    %lt3A_74 = arith.cmpi slt, %iota3A_59, %lt3A_73 : vector<1x1024xi32>
    %and3A_75 = arith.andi %gt3A_71, %lt3A_74 : vector<1x1024xi1>
    %get3A_76 = arith.constant 0 : index
    %get3A_77 = arith.constant 0 : index
    %get3A_78 = vector.load %arg8[%get3A_76, %get3A_77] : memref<1x1024xf32, #tpu.memory_space<vmem>>, vector<1x1024xf32>
    %jit3A = arith.constant -1.000000e+09 : f32
    %broadcast_in_dim3A = vector.broadcast %jit3A : f32 to vector<1x1024xf32>
    %select_n3A = arith.select %and3A_75, %get3A_78, %broadcast_in_dim3A : vector<1x1024xi1>, vector<1x1024xf32>
    %iota3A_79 = tpu.iota {dimensions = array<i32: 0>} : vector<8x128xi32>
    %mul3A_80 = arith.constant 128 : i32
    %mul3A_81 = vector.broadcast %mul3A_80 : i32 to vector<8x128xi32>
    %mul3A_82 = arith.muli %iota3A_79, %mul3A_81 : vector<8x128xi32>
    %iota3A_83 = tpu.iota {dimensions = array<i32: 1>} : vector<8x128xi32>
    %add3A_84 = arith.addi %mul3A_82, %iota3A_83 : vector<8x128xi32>
    %broadcast_in_dim3A_85 = arith.constant 0 : i32
    %broadcast_in_dim3A_86 = vector.broadcast %broadcast_in_dim3A_85 : i32 to vector<8x128xi32>
    %scan3A_87 = arith.constant 0 : i32
    %scan3A_88 = arith.constant 300 : i32
    %scan3A_89 = arith.addi %scan3A_87, %scan3A_88 : i32
    %scan3A_90 = arith.constant 1 : i32
    %scan3A_91:2 = scf.for %scan3A_96 = %scan3A_87 to %scan3A_89 step %scan3A_90 iter_args(%scan3A_97 = %select_n3A, %scan3A_98 = %broadcast_in_dim3A_86) -> (vector<1x1024xf32>, vector<8x128xi32>)  : i32 {
      %reduce_max3A = vector.shape_cast %scan3A_97 : vector<1x1024xf32> to vector<1x1x1024xf32>
      %reduce_max3A_99 = arith.constant dense<0xFF800000> : vector<1xf32>
      %reduce_max3A_100 = vector.multi_reduction <maximumf>, %reduce_max3A, %reduce_max3A_99 [1, 2] : vector<1x1x1024xf32> to vector<1xf32>
      %reduce_max3A_101 = vector.shape_cast %reduce_max3A_100 : vector<1xf32> to vector<1x1x1xf32>
      %reduce_max3A_102 = vector.extract %reduce_max3A_101[0, 0, 0] : f32 from vector<1x1x1xf32>
      %eq3A = vector.broadcast %reduce_max3A_102 : f32 to vector<1x1024xf32>
      %eq3A_103 = arith.cmpf oeq, %scan3A_97, %eq3A : vector<1x1024xf32>
      %jit3A_104 = arith.constant 1073741824 : i32
      %broadcast_in_dim3A_105 = vector.broadcast %jit3A_104 : i32 to vector<1x1024xi32>
      %select_n3A_106 = arith.select %eq3A_103, %iota3A_59, %broadcast_in_dim3A_105 : vector<1x1024xi1>, vector<1x1024xi32>
      %reduce_min3A = vector.shape_cast %select_n3A_106 : vector<1x1024xi32> to vector<1x1x1024xi32>
      %reduce_min3A_107 = arith.constant dense<2147483647> : vector<1xi32>
      %reduce_min3A_108 = vector.multi_reduction <minsi>, %reduce_min3A, %reduce_min3A_107 [1, 2] : vector<1x1x1024xi32> to vector<1xi32>
      %reduce_min3A_109 = vector.shape_cast %reduce_min3A_108 : vector<1xi32> to vector<1x1x1xi32>
      %reduce_min3A_110 = vector.extract %reduce_min3A_109[0, 0, 0] : i32 from vector<1x1x1xi32>
      %eq3A_111 = vector.broadcast %scan3A_96 : i32 to vector<8x128xi32>
      %eq3A_112 = arith.cmpi eq, %add3A_84, %eq3A_111 : vector<8x128xi32>
      %broadcast_in_dim3A_113 = vector.broadcast %reduce_min3A_110 : i32 to vector<8x128xi32>
      %select_n3A_114 = arith.select %eq3A_112, %broadcast_in_dim3A_113, %scan3A_98 : vector<8x128xi1>, vector<8x128xi32>
      %eq3A_115 = vector.broadcast %reduce_min3A_110 : i32 to vector<1x1024xi32>
      %eq3A_116 = arith.cmpi eq, %iota3A_59, %eq3A_115 : vector<1x1024xi32>
      %jit3A_117 = arith.constant -2.000000e+09 : f32
      %broadcast_in_dim3A_118 = vector.broadcast %jit3A_117 : f32 to vector<1x1024xf32>
      %select_n3A_119 = arith.select %eq3A_116, %broadcast_in_dim3A_118, %scan3A_97 : vector<1x1024xi1>, vector<1x1024xf32>
      scf.yield %select_n3A_119, %select_n3A_114 : vector<1x1024xf32>, vector<8x128xi32>
    }
    %scan3A_92 = arith.constant 300 : i32
    %swap3A_93 = arith.constant 0 : index
    %swap3A_94 = arith.constant 0 : index
    %swap3A_95 = vector.load %arg9[%swap3A_93, %swap3A_94] : memref<8x128xi32, #tpu.memory_space<vmem>>, vector<8x128xi32>
    tpu.vector_store %arg9[%swap3A_93, %swap3A_94], %scan3A_91#1 {strides = array<i32>} : memref<8x128xi32, #tpu.memory_space<vmem>>, vector<8x128xi32>,
    return
  }
}

module attributes {stable_mosaic.version = 14 : i64} {
  func.func @_kb4_body(%arg0: memref<304x1xi32, #tpu.memory_space<vmem>>, %arg1: memref<1x1024xf32, #tpu.memory_space<vmem>>, %arg2: memref<1x1024xf32, #tpu.memory_space<vmem>>, %arg3: memref<1x1024xf32, #tpu.memory_space<vmem>>, %arg4: memref<1x1024xf32, #tpu.memory_space<vmem>>, %arg5: memref<304x49xi32, #tpu.memory_space<vmem>>) attributes {dimension_semantics = [], scalar_prefetch = 0 : i64, scratch_operands = 0 : i64, tpu.core_type = #tpu.core_type<tc>} {
    %get3A = arith.constant 0 : index
    %get3A_0 = arith.constant 0 : index
    %get3A_1 = vector.load %arg0[%get3A, %get3A_0] : memref<304x1xi32, #tpu.memory_space<vmem>>, vector<304x1xi32>
    %iota3A = tpu.iota {dimensions = array<i32: 1>} : vector<304x1024xi32>
    %eq3A = vector.broadcast %get3A_1 : vector<304x1xi32> to vector<304x1024xi32>
    %eq3A_2 = arith.cmpi eq, %iota3A, %eq3A : vector<304x1024xi32>
    %convert_element_type3A = arith.extui %eq3A_2 : vector<304x1024xi1> to vector<304x1024xi32>
    %convert_element_type3A_3 = arith.sitofp %convert_element_type3A : vector<304x1024xi32> to vector<304x1024xf32>
    %get3A_4 = arith.constant 0 : index
    %get3A_5 = arith.constant 0 : index
    %get3A_6 = vector.load %arg1[%get3A_4, %get3A_5] : memref<1x1024xf32, #tpu.memory_space<vmem>>, vector<1x1024xf32>
    %mul3A = vector.broadcast %get3A_6 : vector<1x1024xf32> to vector<304x1024xf32>
    %mul3A_7 = arith.mulf %convert_element_type3A_3, %mul3A : vector<304x1024xf32>
    %reduce_sum3A = arith.constant dense<0.000000e+00> : vector<304xf32>
    %reduce_sum3A_8 = vector.multi_reduction <add>, %mul3A_7, %reduce_sum3A [1] : vector<304x1024xf32> to vector<304xf32>
    %broadcast_in_dim3A = vector.shape_cast %reduce_sum3A_8 : vector<304xf32> to vector<304x1xf32>
    %get3A_9 = arith.constant 0 : index
    %get3A_10 = arith.constant 0 : index
    %get3A_11 = vector.load %arg2[%get3A_9, %get3A_10] : memref<1x1024xf32, #tpu.memory_space<vmem>>, vector<1x1024xf32>
    %mul3A_12 = vector.broadcast %get3A_11 : vector<1x1024xf32> to vector<304x1024xf32>
    %mul3A_13 = arith.mulf %convert_element_type3A_3, %mul3A_12 : vector<304x1024xf32>
    %reduce_sum3A_14 = arith.constant dense<0.000000e+00> : vector<304xf32>
    %reduce_sum3A_15 = vector.multi_reduction <add>, %mul3A_13, %reduce_sum3A_14 [1] : vector<304x1024xf32> to vector<304xf32>
    %broadcast_in_dim3A_16 = vector.shape_cast %reduce_sum3A_15 : vector<304xf32> to vector<304x1xf32>
    %get3A_17 = arith.constant 0 : index
    %get3A_18 = arith.constant 0 : index
    %get3A_19 = vector.load %arg3[%get3A_17, %get3A_18] : memref<1x1024xf32, #tpu.memory_space<vmem>>, vector<1x1024xf32>
    %mul3A_20 = vector.broadcast %get3A_19 : vector<1x1024xf32> to vector<304x1024xf32>
    %mul3A_21 = arith.mulf %convert_element_type3A_3, %mul3A_20 : vector<304x1024xf32>
    %reduce_sum3A_22 = arith.constant dense<0.000000e+00> : vector<304xf32>
    %reduce_sum3A_23 = vector.multi_reduction <add>, %mul3A_21, %reduce_sum3A_22 [1] : vector<304x1024xf32> to vector<304xf32>
    %broadcast_in_dim3A_24 = vector.shape_cast %reduce_sum3A_23 : vector<304xf32> to vector<304x1xf32>
    %get3A_25 = arith.constant 0 : index
    %get3A_26 = arith.constant 0 : index
    %get3A_27 = vector.load %arg4[%get3A_25, %get3A_26] : memref<1x1024xf32, #tpu.memory_space<vmem>>, vector<1x1024xf32>
    %mul3A_28 = vector.broadcast %get3A_27 : vector<1x1024xf32> to vector<304x1024xf32>
    %mul3A_29 = arith.mulf %convert_element_type3A_3, %mul3A_28 : vector<304x1024xf32>
    %reduce_sum3A_30 = arith.constant dense<0.000000e+00> : vector<304xf32>
    %reduce_sum3A_31 = vector.multi_reduction <add>, %mul3A_29, %reduce_sum3A_30 [1] : vector<304x1024xf32> to vector<304xf32>
    %broadcast_in_dim3A_32 = vector.shape_cast %reduce_sum3A_31 : vector<304xf32> to vector<304x1xf32>
    %iota3A_33 = tpu.iota {dimensions = array<i32: 1>} : vector<1x49xi32>
    %jit3A = arith.constant 7 : i32
    %div3A = vector.broadcast %jit3A : i32 to vector<1x49xi32>
    %div3A_34 = arith.divsi %iota3A_33, %div3A : vector<1x49xi32>
    %sign3A = arith.constant 0 : i32
    %sign3A_35 = vector.broadcast %sign3A : i32 to vector<1x49xi32>
    %sign3A_36 = arith.cmpi sgt, %iota3A_33, %sign3A_35 : vector<1x49xi32>
    %sign3A_37 = arith.extui %sign3A_36 : vector<1x49xi1> to vector<1x49xi32>
    %sign3A_38 = arith.constant 0 : i32
    %sign3A_39 = vector.broadcast %sign3A_38 : i32 to vector<1x49xi32>
    %sign3A_40 = arith.cmpi slt, %iota3A_33, %sign3A_39 : vector<1x49xi32>
    %sign3A_41 = arith.extui %sign3A_40 : vector<1x49xi1> to vector<1x49xi32>
    %sign3A_42 = arith.subi %sign3A_37, %sign3A_41 : vector<1x49xi32>
    %sign3A_43 = arith.constant 0 : i32
    %sign3A_44 = arith.cmpi sgt, %jit3A, %sign3A_43 : i32
    %sign3A_45 = arith.extui %sign3A_44 : i1 to i32
    %sign3A_46 = arith.constant 0 : i32
    %sign3A_47 = arith.cmpi slt, %jit3A, %sign3A_46 : i32
    %sign3A_48 = arith.extui %sign3A_47 : i1 to i32
    %sign3A_49 = arith.subi %sign3A_45, %sign3A_48 : i32
    %ne3A = vector.broadcast %sign3A_49 : i32 to vector<1x49xi32>
    %ne3A_50 = arith.cmpi ne, %sign3A_42, %ne3A : vector<1x49xi32>
    %rem3A = vector.broadcast %jit3A : i32 to vector<1x49xi32>
    %rem3A_51 = arith.remsi %iota3A_33, %rem3A : vector<1x49xi32>
    %ne3A_52 = arith.constant 0 : i32
    %ne3A_53 = vector.broadcast %ne3A_52 : i32 to vector<1x49xi32>
    %ne3A_54 = arith.cmpi ne, %rem3A_51, %ne3A_53 : vector<1x49xi32>
    %and3A = arith.andi %ne3A_50, %ne3A_54 : vector<1x49xi1>
    %sub3A = arith.constant 1 : i32
    %sub3A_55 = vector.broadcast %sub3A : i32 to vector<1x49xi32>
    %sub3A_56 = arith.subi %div3A_34, %sub3A_55 : vector<1x49xi32>
    %select_n3A = arith.select %and3A, %sub3A_56, %div3A_34 : vector<1x49xi1>, vector<1x49xi32>
    %convert_element_type3A_57 = arith.sitofp %select_n3A : vector<1x49xi32> to vector<1x49xf32>
    %jit3A_58 = arith.constant 7 : i32
    %div3A_59 = vector.broadcast %jit3A_58 : i32 to vector<1x49xi32>
    %div3A_60 = arith.divsi %iota3A_33, %div3A_59 : vector<1x49xi32>
    %sign3A_61 = arith.constant 0 : i32
    %sign3A_62 = vector.broadcast %sign3A_61 : i32 to vector<1x49xi32>
    %sign3A_63 = arith.cmpi sgt, %iota3A_33, %sign3A_62 : vector<1x49xi32>
    %sign3A_64 = arith.extui %sign3A_63 : vector<1x49xi1> to vector<1x49xi32>
    %sign3A_65 = arith.constant 0 : i32
    %sign3A_66 = vector.broadcast %sign3A_65 : i32 to vector<1x49xi32>
    %sign3A_67 = arith.cmpi slt, %iota3A_33, %sign3A_66 : vector<1x49xi32>
    %sign3A_68 = arith.extui %sign3A_67 : vector<1x49xi1> to vector<1x49xi32>
    %sign3A_69 = arith.subi %sign3A_64, %sign3A_68 : vector<1x49xi32>
    %sign3A_70 = arith.constant 0 : i32
    %sign3A_71 = arith.cmpi sgt, %jit3A_58, %sign3A_70 : i32
    %sign3A_72 = arith.extui %sign3A_71 : i1 to i32
    %sign3A_73 = arith.constant 0 : i32
    %sign3A_74 = arith.cmpi slt, %jit3A_58, %sign3A_73 : i32
    %sign3A_75 = arith.extui %sign3A_74 : i1 to i32
    %sign3A_76 = arith.subi %sign3A_72, %sign3A_75 : i32
    %ne3A_77 = vector.broadcast %sign3A_76 : i32 to vector<1x49xi32>
    %ne3A_78 = arith.cmpi ne, %sign3A_69, %ne3A_77 : vector<1x49xi32>
    %rem3A_79 = vector.broadcast %jit3A_58 : i32 to vector<1x49xi32>
    %rem3A_80 = arith.remsi %iota3A_33, %rem3A_79 : vector<1x49xi32>
    %ne3A_81 = arith.constant 0 : i32
    %ne3A_82 = vector.broadcast %ne3A_81 : i32 to vector<1x49xi32>
    %ne3A_83 = arith.cmpi ne, %rem3A_80, %ne3A_82 : vector<1x49xi32>
    %and3A_84 = arith.andi %ne3A_78, %ne3A_83 : vector<1x49xi1>
    %sub3A_85 = arith.constant 1 : i32
    %sub3A_86 = vector.broadcast %sub3A_85 : i32 to vector<1x49xi32>
    %sub3A_87 = arith.subi %div3A_60, %sub3A_86 : vector<1x49xi32>
    %select_n3A_88 = arith.select %and3A_84, %sub3A_87, %div3A_60 : vector<1x49xi1>, vector<1x49xi32>
    %mul3A_89 = arith.constant 7 : i32
    %mul3A_90 = vector.broadcast %mul3A_89 : i32 to vector<1x49xi32>
    %mul3A_91 = arith.muli %select_n3A_88, %mul3A_90 : vector<1x49xi32>
    %sub3A_92 = arith.subi %iota3A_33, %mul3A_91 : vector<1x49xi32>
    %convert_element_type3A_93 = arith.sitofp %sub3A_92 : vector<1x49xi32> to vector<1x49xf32>
    %add3A = arith.constant 5.000000e-01 : f32
    %add3A_94 = vector.broadcast %add3A : f32 to vector<1x49xf32>
    %add3A_95 = arith.addf %convert_element_type3A_57, %add3A_94 : vector<1x49xf32>
    %sub3A_96 = arith.subf %broadcast_in_dim3A_32, %broadcast_in_dim3A_16 : vector<304x1xf32>
    %mul3A_97 = vector.broadcast %add3A_95 : vector<1x49xf32> to vector<304x49xf32>
    %mul3A_98 = vector.broadcast %sub3A_96 : vector<304x1xf32> to vector<304x49xf32>
    %mul3A_99 = arith.mulf %mul3A_97, %mul3A_98 : vector<304x49xf32>
    %div3A_100 = arith.constant 7.000000e+00 : f32
    %div3A_101 = vector.broadcast %div3A_100 : f32 to vector<304x49xf32>
    %div3A_102 = arith.divf %mul3A_99, %div3A_101 : vector<304x49xf32>
    %add3A_103 = vector.broadcast %broadcast_in_dim3A_16 : vector<304x1xf32> to vector<304x49xf32>
    %add3A_104 = arith.addf %add3A_103, %div3A_102 : vector<304x49xf32>
    %add3A_105 = arith.constant 5.000000e-01 : f32
    %add3A_106 = vector.broadcast %add3A_105 : f32 to vector<1x49xf32>
    %add3A_107 = arith.addf %convert_element_type3A_93, %add3A_106 : vector<1x49xf32>
    %sub3A_108 = arith.subf %broadcast_in_dim3A_24, %broadcast_in_dim3A : vector<304x1xf32>
    %mul3A_109 = vector.broadcast %add3A_107 : vector<1x49xf32> to vector<304x49xf32>
    %mul3A_110 = vector.broadcast %sub3A_108 : vector<304x1xf32> to vector<304x49xf32>
    %mul3A_111 = arith.mulf %mul3A_109, %mul3A_110 : vector<304x49xf32>
    %div3A_112 = arith.constant 7.000000e+00 : f32
    %div3A_113 = vector.broadcast %div3A_112 : f32 to vector<304x49xf32>
    %div3A_114 = arith.divf %mul3A_111, %div3A_113 : vector<304x49xf32>
    %add3A_115 = vector.broadcast %broadcast_in_dim3A : vector<304x1xf32> to vector<304x49xf32>
    %add3A_116 = arith.addf %add3A_115, %div3A_114 : vector<304x49xf32>
    %div3A_117 = arith.constant 1.600000e+01 : f32
    %div3A_118 = vector.broadcast %div3A_117 : f32 to vector<304x49xf32>
    %div3A_119 = arith.divf %add3A_104, %div3A_118 : vector<304x49xf32>
    %convert_element_type3A_120 = arith.fptosi %div3A_119 : vector<304x49xf32> to vector<304x49xi32>
    %jit3A_121 = arith.constant 0 : i32
    %jit3A_122 = arith.constant 31 : i32
    %max3A = vector.broadcast %jit3A_121 : i32 to vector<304x49xi32>
    %max3A_123 = arith.maxsi %max3A, %convert_element_type3A_120 : vector<304x49xi32>
    %min3A = vector.broadcast %jit3A_122 : i32 to vector<304x49xi32>
    %min3A_124 = arith.minsi %min3A, %max3A_123 : vector<304x49xi32>
    %div3A_125 = arith.constant 1.600000e+01 : f32
    %div3A_126 = vector.broadcast %div3A_125 : f32 to vector<304x49xf32>
    %div3A_127 = arith.divf %add3A_116, %div3A_126 : vector<304x49xf32>
    %convert_element_type3A_128 = arith.fptosi %div3A_127 : vector<304x49xf32> to vector<304x49xi32>
    %jit3A_129 = arith.constant 0 : i32
    %jit3A_130 = arith.constant 31 : i32
    %max3A_131 = vector.broadcast %jit3A_129 : i32 to vector<304x49xi32>
    %max3A_132 = arith.maxsi %max3A_131, %convert_element_type3A_128 : vector<304x49xi32>
    %min3A_133 = vector.broadcast %jit3A_130 : i32 to vector<304x49xi32>
    %min3A_134 = arith.minsi %min3A_133, %max3A_132 : vector<304x49xi32>
    %mul3A_135 = arith.constant 32 : i32
    %mul3A_136 = vector.broadcast %mul3A_135 : i32 to vector<304x49xi32>
    %mul3A_137 = arith.muli %min3A_124, %mul3A_136 : vector<304x49xi32>
    %add3A_138 = arith.addi %mul3A_137, %min3A_134 : vector<304x49xi32>
    %swap3A = arith.constant 0 : index
    %swap3A_139 = arith.constant 0 : index
    %swap3A_140 = vector.load %arg5[%swap3A, %swap3A_139] : memref<304x49xi32, #tpu.memory_space<vmem>>, vector<304x49xi32>
    tpu.vector_store %arg5[%swap3A, %swap3A_139], %add3A_138 {strides = array<i32>} : memref<304x49xi32, #tpu.memory_space<vmem>>, vector<304x49xi32>,
    return
  }
}

module attributes {stable_mosaic.version = 14 : i64} {
  func.func @_kd_body(%arg0: i32, %arg1: memref<304x1792xf32, #tpu.memory_space<vmem>>, %arg2: memref<1792x1024xf32, #tpu.memory_space<vmem>>, %arg3: memref<1x1024xf32, #tpu.memory_space<vmem>>, %arg4: memref<304x1024xf32, #tpu.memory_space<vmem>>) attributes {dimension_semantics = [#tpu.dimension_semantics<arbitrary>], iteration_bounds = array<i64: 7>, scalar_prefetch = 0 : i64, scratch_operands = 0 : i64, tpu.core_type = #tpu.core_type<tc>, window_params = [{transform_indices = @transform_0, window_bounds = array<i64: 304, 1792>}, {transform_indices = @transform_1, window_bounds = array<i64: 1792, 1024>}, {pipeline_mode = #tpu.pipeline_mode<synchronous>, transform_indices = @transform_2, window_bounds = array<i64: 1, 1024>}, {pipeline_mode = #tpu.pipeline_mode<synchronous>, transform_indices = @transform_3, window_bounds = array<i64: 304, 1024>}]} {
    %eq3A = arith.constant 0 : i32
    %eq3A_0 = arith.cmpi eq, %arg0, %eq3A : i32
    %convert_element_type3A = arith.extui %eq3A_0 : i1 to i32
    %cond3A = arith.constant 0 : i32
    %cond3A_1 = arith.cmpi ne, %convert_element_type3A, %cond3A : i32
    scf.if %cond3A_1 {
      %broadcast_in_dim3A = arith.constant 0.000000e+00 : f32
      %broadcast_in_dim3A_18 = vector.broadcast %broadcast_in_dim3A : f32 to vector<304x1024xf32>
      %swap3A_19 = arith.constant 0 : index
      %swap3A_20 = arith.constant 0 : index
      %swap3A_21 = vector.load %arg4[%swap3A_19, %swap3A_20] : memref<304x1024xf32, #tpu.memory_space<vmem>>, vector<304x1024xf32>
      tpu.vector_store %arg4[%swap3A_19, %swap3A_20], %broadcast_in_dim3A_18 {strides = array<i32>} : memref<304x1024xf32, #tpu.memory_space<vmem>>, vector<304x1024xf32>,
    } else {
    }
    %get3A = arith.constant 0 : index
    %get3A_2 = arith.constant 0 : index
    %get3A_3 = vector.load %arg4[%get3A, %get3A_2] : memref<304x1024xf32, #tpu.memory_space<vmem>>, vector<304x1024xf32>
    %get3A_4 = arith.constant 0 : index
    %get3A_5 = arith.constant 0 : index
    %get3A_6 = vector.load %arg1[%get3A_4, %get3A_5] : memref<304x1792xf32, #tpu.memory_space<vmem>>, vector<304x1792xf32>
    %get3A_7 = arith.constant 0 : index
    %get3A_8 = arith.constant 0 : index
    %get3A_9 = vector.load %arg2[%get3A_7, %get3A_8] : memref<1792x1024xf32, #tpu.memory_space<vmem>>, vector<1792x1024xf32>
    %dot_general3A = arith.constant dense<0.000000e+00> : vector<304x1024xf32>
    %dot_general3A_10 = tpu.matmul %get3A_6, %get3A_9, %dot_general3A {dimension_numbers = #tpu.dot_dimension_numbers<[1], [0], [0], [1], [0, 0, 1, 1], [], []>, transpose_lhs_hint = false} : vector<304x1792xf32>, vector<1792x1024xf32>, vector<304x1024xf32> -> vector<304x1024xf32>
    %add3A = arith.addf %get3A_3, %dot_general3A_10 : vector<304x1024xf32>
    %swap3A = arith.constant 0 : index
    %swap3A_11 = arith.constant 0 : index
    %swap3A_12 = vector.load %arg4[%swap3A, %swap3A_11] : memref<304x1024xf32, #tpu.memory_space<vmem>>, vector<304x1024xf32>
    tpu.vector_store %arg4[%swap3A, %swap3A_11], %add3A {strides = array<i32>} : memref<304x1024xf32, #tpu.memory_space<vmem>>, vector<304x1024xf32>,
    %eq3A_13 = arith.constant 6 : i32
    %eq3A_14 = arith.cmpi eq, %arg0, %eq3A_13 : i32
    %convert_element_type3A_15 = arith.extui %eq3A_14 : i1 to i32
    %cond3A_16 = arith.constant 0 : i32
    %cond3A_17 = arith.cmpi ne, %convert_element_type3A_15, %cond3A_16 : i32
    scf.if %cond3A_17 {
      %get3A_18 = arith.constant 0 : index
      %get3A_19 = arith.constant 0 : index
      %get3A_20 = vector.load %arg4[%get3A_18, %get3A_19] : memref<304x1024xf32, #tpu.memory_space<vmem>>, vector<304x1024xf32>
      %get3A_21 = arith.constant 0 : index
      %get3A_22 = arith.constant 0 : index
      %get3A_23 = vector.load %arg3[%get3A_21, %get3A_22] : memref<1x1024xf32, #tpu.memory_space<vmem>>, vector<1x1024xf32>
      %add3A_24 = vector.broadcast %get3A_23 : vector<1x1024xf32> to vector<304x1024xf32>
      %add3A_25 = arith.addf %get3A_20, %add3A_24 : vector<304x1024xf32>
      %max3A = arith.constant 0.000000e+00 : f32
      %max3A_26 = vector.broadcast %max3A : f32 to vector<304x1024xf32>
      %max3A_27 = arith.maximumf %add3A_25, %max3A_26 : vector<304x1024xf32>
      %swap3A_28 = arith.constant 0 : index
      %swap3A_29 = arith.constant 0 : index
      %swap3A_30 = vector.load %arg4[%swap3A_28, %swap3A_29] : memref<304x1024xf32, #tpu.memory_space<vmem>>, vector<304x1024xf32>
      tpu.vector_store %arg4[%swap3A_28, %swap3A_29], %max3A_27 {strides = array<i32>} : memref<304x1024xf32, #tpu.memory_space<vmem>>, vector<304x1024xf32>,
    } else {
    }
    return
  }
  func.func @transform_0(%arg0: i32) -> (i32, i32) {
    %c0_i32 = arith.constant 0 : i32
    %c0_i32_0 = arith.constant 0 : i32
    return %c0_i32, %arg0 : i32, i32
  }
  func.func @transform_1(%arg0: i32) -> (i32, i32) {
    %c0_i32 = arith.constant 0 : i32
    %c0_i32_0 = arith.constant 0 : i32
    return %arg0, %c0_i32 : i32, i32
  }
  func.func @transform_2(%arg0: i32) -> (i32, i32) {
    %c0_i32 = arith.constant 0 : i32
    %c0_i32_0 = arith.constant 0 : i32
    %c0_i32_1 = arith.constant 0 : i32
    return %c0_i32, %c0_i32_0 : i32, i32
  }
  func.func @transform_3(%arg0: i32) -> (i32, i32) {
    %c0_i32 = arith.constant 0 : i32
    %c0_i32_0 = arith.constant 0 : i32
    %c0_i32_1 = arith.constant 0 : i32
    return %c0_i32, %c0_i32_0 : i32, i32
  }
}

module attributes {stable_mosaic.version = 14 : i64} {
  func.func @_ke_body(%arg0: memref<304x1024xf32, #tpu.memory_space<vmem>>, %arg1: memref<1024x21xf32, #tpu.memory_space<vmem>>, %arg2: memref<1x21xf32, #tpu.memory_space<vmem>>, %arg3: memref<1024x84xf32, #tpu.memory_space<vmem>>, %arg4: memref<1x84xf32, #tpu.memory_space<vmem>>, %arg5: memref<304x21xf32, #tpu.memory_space<vmem>>, %arg6: memref<304x84xf32, #tpu.memory_space<vmem>>) attributes {dimension_semantics = [], scalar_prefetch = 0 : i64, scratch_operands = 0 : i64, tpu.core_type = #tpu.core_type<tc>} {
    %get3A = arith.constant 0 : index
    %get3A_0 = arith.constant 0 : index
    %get3A_1 = vector.load %arg0[%get3A, %get3A_0] : memref<304x1024xf32, #tpu.memory_space<vmem>>, vector<304x1024xf32>
    %get3A_2 = arith.constant 0 : index
    %get3A_3 = arith.constant 0 : index
    %get3A_4 = vector.load %arg1[%get3A_2, %get3A_3] : memref<1024x21xf32, #tpu.memory_space<vmem>>, vector<1024x21xf32>
    %dot_general3A = arith.constant dense<0.000000e+00> : vector<304x21xf32>
    %dot_general3A_5 = tpu.matmul %get3A_1, %get3A_4, %dot_general3A {dimension_numbers = #tpu.dot_dimension_numbers<[1], [0], [0], [1], [0, 0, 1, 1], [], []>, transpose_lhs_hint = false} : vector<304x1024xf32>, vector<1024x21xf32>, vector<304x21xf32> -> vector<304x21xf32>
    %get3A_6 = arith.constant 0 : index
    %get3A_7 = arith.constant 0 : index
    %get3A_8 = vector.load %arg2[%get3A_6, %get3A_7] : memref<1x21xf32, #tpu.memory_space<vmem>>, vector<1x21xf32>
    %add3A = vector.broadcast %get3A_8 : vector<1x21xf32> to vector<304x21xf32>
    %add3A_9 = arith.addf %dot_general3A_5, %add3A : vector<304x21xf32>
    %swap3A = arith.constant 0 : index
    %swap3A_10 = arith.constant 0 : index
    %swap3A_11 = vector.load %arg5[%swap3A, %swap3A_10] : memref<304x21xf32, #tpu.memory_space<vmem>>, vector<304x21xf32>
    tpu.vector_store %arg5[%swap3A, %swap3A_10], %add3A_9 {strides = array<i32>} : memref<304x21xf32, #tpu.memory_space<vmem>>, vector<304x21xf32>,
    %get3A_12 = arith.constant 0 : index
    %get3A_13 = arith.constant 0 : index
    %get3A_14 = vector.load %arg3[%get3A_12, %get3A_13] : memref<1024x84xf32, #tpu.memory_space<vmem>>, vector<1024x84xf32>
    %dot_general3A_15 = arith.constant dense<0.000000e+00> : vector<304x84xf32>
    %dot_general3A_16 = tpu.matmul %get3A_1, %get3A_14, %dot_general3A_15 {dimension_numbers = #tpu.dot_dimension_numbers<[1], [0], [0], [1], [0, 0, 1, 1], [], []>, transpose_lhs_hint = false} : vector<304x1024xf32>, vector<1024x84xf32>, vector<304x84xf32> -> vector<304x84xf32>
    %get3A_17 = arith.constant 0 : index
    %get3A_18 = arith.constant 0 : index
    %get3A_19 = vector.load %arg4[%get3A_17, %get3A_18] : memref<1x84xf32, #tpu.memory_space<vmem>>, vector<1x84xf32>
    %add3A_20 = vector.broadcast %get3A_19 : vector<1x84xf32> to vector<304x84xf32>
    %add3A_21 = arith.addf %dot_general3A_16, %add3A_20 : vector<304x84xf32>
    %swap3A_22 = arith.constant 0 : index
    %swap3A_23 = arith.constant 0 : index
    %swap3A_24 = vector.load %arg6[%swap3A_22, %swap3A_23] : memref<304x84xf32, #tpu.memory_space<vmem>>, vector<304x84xf32>
    tpu.vector_store %arg6[%swap3A_22, %swap3A_23], %add3A_21 {strides = array<i32>} : memref<304x84xf32, #tpu.memory_space<vmem>>, vector<304x84xf32>,
    return
  }
}

</mosaic_0001>

<sc_bundles>
// kernel: kernel.9.cloned.1.call-start
scs
__scs_entry_jumppad:
0x0: {  	(pc) =	sbr.rel $0x88, $3  }
0x1: {  	(tag) =	ssettag $0x0;
	lr =	simm.s32 $0x1  }
0x2: {  	[smem:$0x3F92] =	sst lr;
	_ =	strace $0xD0000000  }
0x3: {  	_ = 	snop  }
0x4: {  	_ = 	snop  }
0x5: {  	_ = 	snop  }
0x6: {  	_ = 	snop  }
0x7: {  	_ = 	snop  }
__scs_overlays_trampoline_lowered:
0x8: {  	[smem:$0x3FA1] =	sst s0  }
0x9: {  	[smem:$0x3FA2] =	sst s1  }
0xa: {  	[smem:$0x3FA3] =	sst s2  }
0xb: {  	[smem:$0x3FA4] =	sst s3  }
0xc: {  	[smem:$0x3FA5] =	sst s4  }
0xd: {  	[smem:$0x3FA6] =	sst s5  }
0xe: {  	[smem:$0x3FA7] =	sst s6  }
0xf: {  	[smem:$0x3FA8] =	sst s7  }
0x10: {  	[smem:$0x3FA9] =	sst s8  }
0x11: {  	[smem:$0x3FAA] =	sst s9;
	s0 =	simm.s32 @!p0 $0x0  }
0x12: {  	s1 =	sld [smem:$0x3F90];
	s0 =	simm.s32 @p0 $0x1  }
0x13: {  	[smem:$0x3FAB] =	sst s0;
	s0 =	simm.s32 @!p1 $0x0  }
0x14: {  	s2 =	sld [smem:$0x3F8F];
	s0 =	simm.s32 @p1 $0x1  }
0x15: {  	[smem:$0x3FAC] =	sst s0;
	s0 =	simm.s32 @!p2 $0x0  }
0x16: {  	s3 =	sld [smem:$0x3FDB];
	s0 =	simm.s32 @p2 $0x1  }
0x17: {  	s4 =	simm.s32 $0x1BF5;
	[smem:$0x3FAE] =	sst s0  }
0x18: {  	s0 =	sld [smem:$0x3F91];
	_ =	swait.ge [sflag:s4], $0x0  }
0x19: {  	s7 =	sld [smem:$0x3F92]  }
0x1a: {  	s8 =	sadd.s32 $0xFFFFE003, lr  }
0x1b: {  	s9 =	sadd.s32 $0xFFFFFEF7, lr;
	s5 =	simm.s32 $0xFFFFFFFF;
	p2 =	slt.u32 s8, $0xFFFFF086  }
0x1c: {  	p1 =	slt.u32 s9, $0xF7A;
	s5 =	simm.s32 @!p2 $0x0  }
0x1d: {  	s5 =	simm.s32 @p1 $0x1;
	p0 =	seq.s32 s7, s2  }
0x1e: {  	s7 =	smul.u32 @!p0 $0xF7A, s2;
	p2 =	seq.s32 @!p0 s5, $0x0  }
0x1f: {  	s9 =	smul.u32 $0xF7A, s1;
	s8 =	simm.s32 @!p0 $0x1BF5;
	p2 =	por !p2, p0  }
0x20: {  	[sflag:s8] =	ssyncset.s32 @!p0 $0xFFFFF086;
	s6 =	sadd.s32 @!p0 s3, s7;
	s7 =	simm.s32 @!p0 $0x108  }
0x21: {  	s3 =	sadd.s32 s3, s9;
	s6 =	sadd.s32 @!p0 $0x88, s6;
	s7 =	simm.s32 @p2 $0x1082  }
0x22: {  	[simem:s7], [sflag:s8] =	dma.local @!p0 [hbm:s6], $0xF7A  }
0x23: {  	s9 =	sor.u32 $0xD0000000, s2;
	s6 =	simm.s32 $0x108;
	_ =	swait.ge @!p0 [sflag:s8], $0x0  }
0x24: {  	s3 =	sadd.s32 $0x88, s3;
	s6 =	simm.s32 @!p1 $0x1082;
	[sflag:s4] =	ssyncset.s32 $0xFFFFF086  }
0x25: {  	[simem:s6], [sflag:s4] =	dma.local [hbm:s3], $0xF7A  }
0x26: {  	[smem:$0x3F92] =	sst s1;
	(tag) =	ssettag s2;
	_ =	strace s9  }
0x27: {  	s1 =	sld [smem:$0x3FA2]  }
0x28: {  	s2 =	sld [smem:$0x3FA3]  }
0x29: {  	s4 =	sld [smem:$0x3FA5]  }
0x2a: {  	p0 =	seq.s32 s5, $0x0;
	s5 =	sld [smem:$0x3FA6]  }
0x2b: {  	s6 =	sld [smem:$0x3FA7]  }
0x2c: {  	s7 =	sld [smem:$0x3FA8]  }
0x2d: {  	s3 =	simm.s32 $0x108;
	s8 =	sld [smem:$0x3FA9]  }
0x2e: {  	s3 =	simm.s32 @!p0 $0x1082;
	s9 =	sld [smem:$0x3FAA]  }
0x2f: {  	lr =	sadd.s32 s0, s3;
	s0 =	sld [smem:$0x3FA1]  }
0x30: {  	s3 =	sld [smem:$0x3FA4]  }
0x31: {  	[smem:$0x3FAD] =	sst s10  }
0x32: {  	s10 =	sld [smem:$0x3FAB];
	_ =	sdelay $0x3  }
0x33: {  	p0 =	seq.s32 s10, $0x1;
	s10 =	sld [smem:$0x3FAD];
	_ =	sdelay $0x3  }
0x34: {  	[smem:$0x3FAD] =	sst s10  }
0x35: {  	s10 =	sld [smem:$0x3FAC];
	_ =	sdelay $0x3  }
0x36: {  	p1 =	seq.s32 s10, $0x1;
	s10 =	sld [smem:$0x3FAD];
	_ =	sdelay $0x3  }
0x37: {  	[smem:$0x3FAD] =	sst s10  }
0x38: {  	s10 =	sld [smem:$0x3FAE]  }
0x39: {  	_ = 	snop;
	(pc) =	sbr.ind lr, $3  }
0x3a: {  	_ = 	snop  }
0x3b: {  	_ = 	snop  }
0x3c: {  	p2 =	seq.s32 s10, $0x1;
	s10 =	sld [smem:$0x3FAD]  }
0x3d: {  	_ =	shalt  }
0x3e: {  	_ =	shalt  }
0x3f: {  	_ =	shalt  }
0x40: {  	_ =	shalt  }
0x41: {  	_ =	shalt  }
0x42: {  	_ =	shalt  }
0x43: {  	_ =	shalt  }
0x44: {  	_ =	shalt  }
0x45: {  	_ =	shalt  }
0x46: {  	_ =	shalt  }
0x47: {  	_ =	shalt  }
0x48: {  	_ =	shalt  }
0x49: {  	_ =	shalt  }
0x4a: {  	_ =	shalt  }
0x4b: {  	_ =	shalt  }
0x4c: {  	_ =	shalt  }
0x4d: {  	_ =	shalt  }
0x4e: {  	_ =	shalt  }
0x4f: {  	_ =	shalt  }
0x50: {  	_ =	shalt  }
0x51: {  	_ =	shalt  }
0x52: {  	_ =	shalt  }
0x53: {  	_ =	shalt  }
0x54: {  	_ =	shalt  }
0x55: {  	_ =	shalt  }
0x56: {  	_ =	shalt  }
0x57: {  	_ =	shalt  }
0x58: {  	_ =	shalt  }
0x59: {  	_ =	shalt  }
0x5a: {  	_ =	shalt  }
0x5b: {  	_ =	shalt  }
0x5c: {  	_ =	shalt  }
0x5d: {  	_ =	shalt  }
0x5e: {  	_ =	shalt  }
0x5f: {  	_ =	shalt  }
0x60: {  	_ =	shalt  }
0x61: {  	_ =	shalt  }
0x62: {  	_ =	shalt  }
0x63: {  	_ =	shalt  }
0x64: {  	_ =	shalt  }
0x65: {  	_ =	shalt  }
0x66: {  	_ =	shalt  }
0x67: {  	_ =	shalt  }
0x68: {  	_ =	shalt  }
0x69: {  	_ =	shalt  }
0x6a: {  	_ =	shalt  }
0x6b: {  	_ =	shalt  }
0x6c: {  	_ =	shalt  }
0x6d: {  	_ =	shalt  }
0x6e: {  	_ =	shalt  }
0x6f: {  	_ =	shalt  }
0x70: {  	_ =	shalt  }
0x71: {  	_ =	shalt  }
0x72: {  	_ =	shalt  }
0x73: {  	_ =	shalt  }
0x74: {  	_ =	shalt  }
0x75: {  	_ =	shalt  }
0x76: {  	_ =	shalt  }
0x77: {  	_ =	shalt  }
0x78: {  	_ =	shalt  }
0x79: {  	_ =	shalt  }
0x7a: {  	_ =	shalt  }
0x7b: {  	_ =	shalt  }
0x7c: {  	_ =	shalt  }
0x7d: {  	_ =	shalt  }
0x7e: {  	_ =	shalt  }
0x7f: {  	_ =	shalt  }
0x80: {  	_ =	shalt  }
0x81: {  	_ =	shalt  }
0x82: {  	_ =	shalt  }
0x83: {  	_ =	shalt  }
0x84: {  	_ =	shalt  }
0x85: {  	_ =	shalt  }
0x86: {  	_ =	shalt  }
0x87: {  	_ =	shalt  }
.Lfunc_end0:
.L_simem_size_0:
called_computation.1_lowered:
.L_overlay_start_0:
0x88: {  	s2 =	sld [smem:$0x3FD9]  }
0x89: {  	s3 =	sld [smem:$0x3FFE];
	_ =	sdelay $0x1  }
0x8a: {  	s1 =	srdreg.scid  }
0x8b: {  	s0 =	sand.u32 $0x1, s1  }
0x8c: {  	s14 =	sshll.u32 s0, $0xA;
	s2 =	sadd.s32 s3, s2  }
0x8d: {  	s2 =	sadd.s32 s2, s14  }
0x8e: {  	[smem:$0x3FB9] =	sst s2  }
0x8f: {  	_ = 	snop  }
0x90: {  	s2 =	sld [smem:$0x3FD0];
	_ =	sdelay $0x2  }
0x91: {  	s15 =	simm.s32 $0xB;
	s4 =	simm.s32 $0x10  }
0x92: {  	[smem:s4], [sflag:s15] =	dma.local [hbm:s2], $0x1  }
0x93: {  	_ =	swait.eq [sflag:s15], $0x1  }
0x94: {  	[sflag:s15] =	ssyncset.done $0x0  }
0x95: {  	[sflag:s15] =	ssyncadd.s32 $0xFFFFFFFF  }
0x96: {  	s16 =	sld [smem:$0x11];
	(tm) =	ssettm $0x1  }
0x97: {  	s17 =	sld [smem:$0x3FFB];
	_ =	sdelay $0x3  }
0x98: {  	_ =	strace s17  }
0x99: {  	s3 =	sld [smem:$0x3FFC];
	_ =	sdelay $0x3  }
0x9a: {  	_ =	strace s3  }
0x9b: {  	s3 =	sld [smem:$0x3FFD];
	_ =	sdelay $0x3  }
0x9c: {  	_ =	strace s3  }
0x9d: {  	_ =	strace $0x8FFFFFFF  }
0x9e: {  	s18 =	sld [smem:$0x3FDB];
	_ =	sdelay $0x1  }
0x9f: {  	s19 =	simm.s32 $_scs_section_size  }
0xa0: {  	s5 =	simm.s32 $_size__tile_overlayer_lowered;
	s6 =	simm.s32 $_tile_overlayer_lowered  }
0xa1: {  	s22 =	simm.s32 $0x1BFF;
	s21 =	sshll.u32 s6, $0x1;
	s3 =	sadd.s32 s19, s18  }
0xa2: {  	s7 =	simm.s32 $0x0;
	s20 =	sshll.u32 s5, $0x1;
	s5 =	sadd.s32 s21, s3  }
0xa3: {  	[timem:s7], [sflag:s22] =	dma.local [hbm:s5], s20  }
0xa4: {  	_ =	swait.ge [sflag:s22], s20  }
0xa5: {  	s4 =	ssub.s32 $0x0, s20;
	[sflag:s22] =	ssyncset.done $0x0  }
0xa6: {  	[sflag:s22] =	ssyncadd.s32 s4;
	_ =	sdelay $0x1  }
0xa7: {  	s23 =	simm.s32 $0x1B8B  }
0xa8: {  	_ =	swait.ge [sflag:s23], $0x1  }
0xa9: {  	[sflag:s23] =	ssyncset.done $0x0  }
0xaa: {  	s25 =	simm.s32 $0x1B8E;
	s24 =	sld [smem:$0x3FFE];
	[sflag:s23] =	ssyncadd.s32 $0xFFFFFFFF  }
0xab: {  	s26 =	simm.s32 $execute0_lowered;
	[smem:$0x3FD2] =	sst s25  }
0xac: {  	s5 =	sshll.u32 s26, $0x1;
	_ =	strace $0x80000046;
	[dreg:$0x1] =	wrdreg $0xFFFFFFFF  }
0xad: {  	s28 =	simm.s32 $_size_execute0_lowered;
	s3 =	sadd.s32 s3, s5;
	[dreg:$0x0] =	wrdreg $0x0  }
0xae: {  	s5 =	sshll.u32 s28, $0x1;
	[dreg:$0x2] =	wrdreg s3  }
0xaf: {  	[dreg:$0x3] =	wrdreg s5  }
0xb0: {  	[dreg:$0x4] =	wrdreg $0xC0  }
0xb1: {  	_ =	task [dreg:s7], $0x5FFFF  }
0xb2: {  	[dreg:$0x1] =	wrdreg $0xFFFFFFFF  }
0xb3: {  	[dreg:$0x0] =	wrdreg $0x60  }
0xb4: {  	[dreg:$0x2] =	wrdreg s24  }
0xb5: {  	[dreg:$0x3] =	wrdreg s16  }
0xb6: {  	[dreg:$0x4] =	wrdreg $0xA  }
0xb7: {  	_ =	task.clear_ibuf [dreg:s7], $0x5FFFF;
	_ =	strace $0x90000046  }
0xb8: {  	s29 =	simm.s32 $0xA;
	_ =	strace $0x80000048  }
0xb9: {  	_ =	swait.ge [sflag:s29], $0x1  }
0xba: {  	[sflag:s29] =	ssyncadd.s32 $0xFFFFFFFF  }
0xbb: {  	_ =	strace $0x90000048  }
0xbc: {  	_ =	sfence  }
0xbd: {  	s30 =	sld [smem:$0x0];
	_ =	sdelay $0x2  }
0xbe: {  	s31 =	sshll.u32 s1, $0xD;
	s1 =	sshrl.u32 s1, $0x2  }
0xbf: {  	s3 =	sand.u32 $0x4000, s31;
	s1 =	sadd.s32 s1, s30  }
0xc0: {  	s0 =	sor.u32 s3, s0;
	s1 =	sshll.u32 s1, $0x11  }
0xc1: {  	s0 =	sor.u32 s1, s0  }
0xc2: {  	s0 =	sadd.s32 $0x8F2B, s0  }
0xc3: {  	[sflag:s0] =	ssyncadd.remote.s32 $0x1  }
0xc4: {  	_ =	sfence.sel $0xFFFF  }
0xc5: {  	[dreg:$0x0] =	wrdreg $0xFFFFFFFF;
	(pc) =	sbr.abs _section_cstart, $3  }
0xc6: {  	[dreg:$0x1] =	wrdreg $0xFFFFFFFF  }
0xc7: {  	_ =	task.clear_ibuf [dreg:s7], $0x2FFFF;
	_ =	strace $0x9FFFFFFF  }
0xc8: {  	(tm) =	ssettm $0x7FFFFFFF  }
0xc9: {  	_ =	shalt  }
tec
execute0_lowered:
.L_overlay_start_1:
0x0: {  	(tag) =	ssettag $0x1  }
0x1: {  	s4 =	rddreg [dreg:$0x0]  }
0x2: {  	s10 =	rddreg [dreg:$0x1]  }
0x3: {  	s0 =	rddreg [dreg:$0x2];
	s1 =	simm.s32 $0x0  }
0x4: {  	s5 =	srdreg.scid;
	s2 =	stileid.u32;
	s15 =	simm.s32 $0x880  }
0x5: {  	s16 =	simm.s32 $0x1080;
	s17 =	simm.s32 $0x1880;
	s18 =	simm.s32 $0x2080  }
0x6: {  	s19 =	simm.s32 $0x2880;
	s20 =	simm.s32 $0x3080;
	s28 =	simm.s32 $0x6880  }
0x7: {  	s29 =	simm.s32 $0x7080;
	s30 =	simm.s32 $0x7880;
	s31 =	simm.s32 $0x1  }
0x8: {  	[smem:$0x7FF] =	sst s1;
	s3 =	sadd.s32 $0x2200, s4;
	s5 =	sand.u32 $0x1, s5  }
0x9: {  	s7 =	sshll.u32 s2, $0xA;
	s6 =	ssub.s32 $0x2, s5;
	s5 =	sshll.u32 s5, $0x9  }
0xa: {  	s11 =	sadd.s32 $0xA200, s4;
	s21 =	sshrl.u32 s6, $0x1;
	s9 =	sor.u32 s5, s7  }
0xb: {  	_ =	strace $0x80000047;
	s12 =	ssub.s32 s6, s21;
	s22 =	sshrl.u32 s9, $0x3  }
0xc: {  	s5 =	sshll.u32 s9, $0x5;
	s23 =	sor.u32 $0x80, s9;
	s13 =	sor.u32 $0x100, s9  }
0xd: {  	s14 =	sor.u32 $0x180, s9;
	s21 =	simm.s32 $0x3880;
	s4 =	sadd.s32 s10, s22  }
0xe: {  	s5 =	sadd.s32 s11, s5;
	s24 =	sshrl.u32 s23, $0x3;
	s8 =	sshll.u32 s23, $0x5  }
0xf: {  	s25 =	sshrl.u32 s13, $0x3;
	s13 =	sshll.u32 s13, $0x5;
	s26 =	sshrl.u32 s14, $0x3  }
0x10: {  	s14 =	sshll.u32 s14, $0x5;
	s12 =	smax.u32 s12, $0x1;
	s22 =	simm.s32 $0x4080  }
0x11: {  	s23 =	simm.s32 $0x4880;
	s6 =	sadd.s32 s10, s24;
	s7 =	sadd.s32 s11, s8  }
0x12: {  	v2 =	vlaneseq.u32;
	s8 =	sadd.s32 s10, s25;
	s9 =	sadd.s32 s11, s13;
	s10 =	sadd.s32 s10, s26  }
0x13: {  	vm0 =	vmmov $0xffff;
	v1 =	vshrl.u32 v2, $0x3;
	s11 =	sadd.s32 s11, s14;
	s13 =	simm.s32 $0x2;
	s14 =	simm.s32 $0x80  }
0x14: {  	v0 =	vand.u32 $0x7, v2;
	v2 =	vor.u32 $0x8, v2;
	v1 =	vmul.u32 $0x8, v1;
	s24 =	simm.s32 $0x5080;
	s25 =	simm.s32 $0x5880;
	s26 =	simm.s32 $0x6080  }
.LBB2_1:
0x15: {  	[tilespmem:s1], [sflag:$0x2] =	stream.linear.gather [hbm4b:s4+s1], $0x80, $0x38;
	[tilespmem:$0x8080] =	vst v63  }
0x16: {  	_ =	swait.ge [sflag:s13], $0x80  }
0x17: {  	[sflag:s13] =	ssyncset.done $0x0  }
0x18: {  	[sflag:s13] =	ssyncadd.s32 $0xFFFFFF80  }
0x19: {  	v3 =	vld [tilespmem:$0x0];
	_ =	sdelay $0x4  }
0x1a: {  	v4 =	vshll.u32 v3, $0x1  }
0x1b: {  	v3 =	vand.u32 $0x7, v3;
	v4 =	vand.u32 $0xFFFFFFF0, v4  }
0x1c: {  	v3 =	vor.u32 v3, v4  }
0x1d: {  	v4 =	vperm.xlane v3, v0;
	_ =	sdelay $0x1  }
0x1e: {  	v3 =	vperm.xlane v3, v2;
	v4 =	vadd.s32 v1, v4;
	_ =	sdelay $0x1  }
0x1f: {  	v3 =	vadd.s32 v1, v3;
	_ =	sdelay $0x2  }
0x20: {  	[tilespmem:s14], [sflag:$0x1] =	stream.indirect_vreg.gather [hbm4b:s3+s1], $0x80, v4, vm0, $0xb8;
	[tilespmem:$0x8080] =	vst v63  }
0x21: {  	_ = 	snop  }
0x22: {  	[tilespmem:s15], [sflag:$0x1] =	stream.indirect_vreg.gather [hbm4b:s3+s1], $0x80, v3, vm0, $0xb8;
	[tilespmem:$0x8080] =	vst v63  }
0x23: {  	v3 =	vld [tilespmem:$0x10];
	_ =	sdelay $0x4  }
0x24: {  	v33 =	vshll.u32 v3, $0x1  }
0x25: {  	v3 =	vand.u32 $0x7, v3;
	v4 =	vand.u32 $0xFFFFFFF0, v33  }
0x26: {  	v3 =	vor.u32 v3, v4  }
0x27: {  	v4 =	vperm.xlane v3, v0;
	_ =	sdelay $0x1  }
0x28: {  	v3 =	vperm.xlane v3, v2;
	v4 =	vadd.s32 v1, v4;
	_ =	sdelay $0x1  }
0x29: {  	v3 =	vadd.s32 v1, v3;
	_ =	sdelay $0x2  }
0x2a: {  	[tilespmem:s16], [sflag:$0x1] =	stream.indirect_vreg.gather [hbm4b:s3+s1], $0x80, v4, vm0, $0xb8;
	[tilespmem:$0x8080] =	vst v63  }
0x2b: {  	_ = 	snop  }
0x2c: {  	[tilespmem:s17], [sflag:$0x1] =	stream.indirect_vreg.gather [hbm4b:s3+s1], $0x80, v3, vm0, $0xb8;
	[tilespmem:$0x8080] =	vst v63  }
0x2d: {  	v3 =	vld [tilespmem:$0x20];
	_ =	sdelay $0x4  }
0x2e: {  	v34 =	vshll.u32 v3, $0x1  }
0x2f: {  	v3 =	vand.u32 $0x7, v3;
	v4 =	vand.u32 $0xFFFFFFF0, v34  }
0x30: {  	v3 =	vor.u32 v3, v4  }
0x31: {  	v4 =	vperm.xlane v3, v0;
	_ =	sdelay $0x1  }
0x32: {  	v3 =	vperm.xlane v3, v2;
	v4 =	vadd.s32 v1, v4;
	_ =	sdelay $0x1  }
0x33: {  	v3 =	vadd.s32 v1, v3;
	_ =	sdelay $0x2  }
0x34: {  	[tilespmem:s18], [sflag:$0x1] =	stream.indirect_vreg.gather [hbm4b:s3+s1], $0x80, v4, vm0, $0xb8;
	[tilespmem:$0x8080] =	vst v63  }
0x35: {  	_ = 	snop  }
0x36: {  	[tilespmem:s19], [sflag:$0x1] =	stream.indirect_vreg.gather [hbm4b:s3+s1], $0x80, v3, vm0, $0xb8;
	[tilespmem:$0x8080] =	vst v63  }
0x37: {  	v3 =	vld [tilespmem:$0x30];
	_ =	sdelay $0x4  }
0x38: {  	v35 =	vshll.u32 v3, $0x1  }
0x39: {  	v3 =	vand.u32 $0x7, v3;
	v4 =	vand.u32 $0xFFFFFFF0, v35  }
0x3a: {  	v3 =	vor.u32 v3, v4  }
0x3b: {  	v4 =	vperm.xlane v3, v0;
	_ =	sdelay $0x1  }
0x3c: {  	v3 =	vperm.xlane v3, v2;
	v4 =	vadd.s32 v1, v4;
	_ =	sdelay $0x1  }
0x3d: {  	v3 =	vadd.s32 v1, v3;
	_ =	sdelay $0x2  }
0x3e: {  	[tilespmem:s20], [sflag:$0x1] =	stream.indirect_vreg.gather [hbm4b:s3+s1], $0x80, v4, vm0, $0xb8;
	[tilespmem:$0x8080] =	vst v63  }
0x3f: {  	_ = 	snop  }
0x40: {  	[tilespmem:s21], [sflag:$0x1] =	stream.indirect_vreg.gather [hbm4b:s3+s1], $0x80, v3, vm0, $0xb8;
	[tilespmem:$0x8080] =	vst v63  }
0x41: {  	v3 =	vld [tilespmem:$0x40];
	_ =	sdelay $0x4  }
0x42: {  	v36 =	vshll.u32 v3, $0x1  }
0x43: {  	v3 =	vand.u32 $0x7, v3;
	v4 =	vand.u32 $0xFFFFFFF0, v36  }
0x44: {  	v3 =	vor.u32 v3, v4  }
0x45: {  	v4 =	vperm.xlane v3, v0;
	_ =	sdelay $0x1  }
0x46: {  	v3 =	vperm.xlane v3, v2;
	v4 =	vadd.s32 v1, v4;
	_ =	sdelay $0x1  }
0x47: {  	v3 =	vadd.s32 v1, v3;
	_ =	sdelay $0x2  }
0x48: {  	[tilespmem:s22], [sflag:$0x1] =	stream.indirect_vreg.gather [hbm4b:s3+s1], $0x80, v4, vm0, $0xb8;
	[tilespmem:$0x8080] =	vst v63  }
0x49: {  	_ = 	snop  }
0x4a: {  	[tilespmem:s23], [sflag:$0x1] =	stream.indirect_vreg.gather [hbm4b:s3+s1], $0x80, v3, vm0, $0xb8;
	[tilespmem:$0x8080] =	vst v63  }
0x4b: {  	v3 =	vld [tilespmem:$0x50];
	_ =	sdelay $0x4  }
0x4c: {  	v37 =	vshll.u32 v3, $0x1  }
0x4d: {  	v3 =	vand.u32 $0x7, v3;
	v4 =	vand.u32 $0xFFFFFFF0, v37  }
0x4e: {  	v3 =	vor.u32 v3, v4  }
0x4f: {  	v4 =	vperm.xlane v3, v0;
	_ =	sdelay $0x1  }
0x50: {  	v3 =	vperm.xlane v3, v2;
	v4 =	vadd.s32 v1, v4;
	_ =	sdelay $0x1  }
0x51: {  	v3 =	vadd.s32 v1, v3;
	_ =	sdelay $0x2  }
0x52: {  	[tilespmem:s24], [sflag:$0x1] =	stream.indirect_vreg.gather [hbm4b:s3+s1], $0x80, v4, vm0, $0xb8;
	[tilespmem:$0x8080] =	vst v63  }
0x53: {  	_ = 	snop  }
0x54: {  	[tilespmem:s25], [sflag:$0x1] =	stream.indirect_vreg.gather [hbm4b:s3+s1], $0x80, v3, vm0, $0xb8;
	[tilespmem:$0x8080] =	vst v63  }
0x55: {  	v3 =	vld [tilespmem:$0x60];
	_ =	sdelay $0x4  }
0x56: {  	v38 =	vshll.u32 v3, $0x1  }
0x57: {  	v3 =	vand.u32 $0x7, v3;
	v4 =	vand.u32 $0xFFFFFFF0, v38  }
0x58: {  	v3 =	vor.u32 v3, v4  }
0x59: {  	v4 =	vperm.xlane v3, v0;
	_ =	sdelay $0x1  }
0x5a: {  	v3 =	vperm.xlane v3, v2;
	v4 =	vadd.s32 v1, v4;
	_ =	sdelay $0x1  }
0x5b: {  	v3 =	vadd.s32 v1, v3;
	_ =	sdelay $0x2  }
0x5c: {  	[tilespmem:s26], [sflag:$0x1] =	stream.indirect_vreg.gather [hbm4b:s3+s1], $0x80, v4, vm0, $0xb8;
	[tilespmem:$0x8080] =	vst v63  }
0x5d: {  	_ = 	snop  }
0x5e: {  	[tilespmem:s28], [sflag:$0x1] =	stream.indirect_vreg.gather [hbm4b:s3+s1], $0x80, v3, vm0, $0xb8;
	[tilespmem:$0x8080] =	vst v63  }
0x5f: {  	v3 =	vld [tilespmem:$0x70];
	_ =	sdelay $0x4  }
0x60: {  	v39 =	vshll.u32 v3, $0x1  }
0x61: {  	v3 =	vand.u32 $0x7, v3;
	v4 =	vand.u32 $0xFFFFFFF0, v39  }
0x62: {  	v3 =	vor.u32 v3, v4  }
0x63: {  	v4 =	vperm.xlane v3, v0;
	_ =	sdelay $0x1  }
0x64: {  	v3 =	vperm.xlane v3, v2;
	v4 =	vadd.s32 v1, v4;
	_ =	sdelay $0x1  }
0x65: {  	v3 =	vadd.s32 v1, v3;
	_ =	sdelay $0x2  }
0x66: {  	[tilespmem:s29], [sflag:$0x1] =	stream.indirect_vreg.gather [hbm4b:s3+s1], $0x80, v4, vm0, $0xb8;
	[tilespmem:$0x8080] =	vst v63  }
0x67: {  	_ = 	snop  }
0x68: {  	[tilespmem:s30], [sflag:$0x1] =	stream.indirect_vreg.gather [hbm4b:s3+s1], $0x80, v3, vm0, $0xb8;
	[tilespmem:$0x8080] =	vst v63  }
0x69: {  	_ =	swait.ge [sflag:s31], $0x8000  }
0x6a: {  	[sflag:s31] =	ssyncset.done $0x0  }
0x6b: {  	[sflag:s31] =	ssyncadd.s32 $0xFFFF8000  }
0x6c: {  	[hbm4b:s5+s1] =	stream.linear.scatter [tilespmem:s14], [sflag:$0x2], $0x8000, $0x38;
	[tilespmem:$0x8080] =	vst v63  }
0x6d: {  	_ =	swait.ge [sflag:s13], $0x8000  }
0x6e: {  	[sflag:s13] =	ssyncset.done $0x0  }
0x6f: {  	[sflag:s13] =	ssyncadd.s32 $0xFFFF8000  }
0x70: {  	[tilespmem:s1], [sflag:$0x2] =	stream.linear.gather [hbm4b:s6+s1], $0x80, $0x38;
	[tilespmem:$0x8080] =	vst v63  }
0x71: {  	_ =	swait.ge [sflag:s13], $0x80  }
0x72: {  	[sflag:s13] =	ssyncset.done $0x0  }
0x73: {  	[sflag:s13] =	ssyncadd.s32 $0xFFFFFF80  }
0x74: {  	v3 =	vld [tilespmem:$0x0];
	_ =	sdelay $0x4  }
0x75: {  	v40 =	vshll.u32 v3, $0x1  }
0x76: {  	v3 =	vand.u32 $0x7, v3;
	v4 =	vand.u32 $0xFFFFFFF0, v40  }
0x77: {  	v3 =	vor.u32 v3, v4  }
0x78: {  	v4 =	vperm.xlane v3, v0;
	_ =	sdelay $0x1  }
0x79: {  	v3 =	vperm.xlane v3, v2;
	v4 =	vadd.s32 v1, v4;
	_ =	sdelay $0x1  }
0x7a: {  	v3 =	vadd.s32 v1, v3;
	_ =	sdelay $0x2  }
0x7b: {  	[tilespmem:s14], [sflag:$0x1] =	stream.indirect_vreg.gather [hbm4b:s3+s1], $0x80, v4, vm0, $0xb8;
	[tilespmem:$0x8080] =	vst v63  }
0x7c: {  	_ = 	snop  }
0x7d: {  	[tilespmem:s15], [sflag:$0x1] =	stream.indirect_vreg.gather [hbm4b:s3+s1], $0x80, v3, vm0, $0xb8;
	[tilespmem:$0x8080] =	vst v63  }
0x7e: {  	v3 =	vld [tilespmem:$0x10];
	_ =	sdelay $0x4  }
0x7f: {  	v41 =	vshll.u32 v3, $0x1  }
0x80: {  	v3 =	vand.u32 $0x7, v3;
	v4 =	vand.u32 $0xFFFFFFF0, v41  }
0x81: {  	v3 =	vor.u32 v3, v4  }
0x82: {  	v4 =	vperm.xlane v3, v0;
	_ =	sdelay $0x1  }
0x83: {  	v3 =	vperm.xlane v3, v2;
	v4 =	vadd.s32 v1, v4;
	_ =	sdelay $0x1  }
0x84: {  	v3 =	vadd.s32 v1, v3;
	_ =	sdelay $0x2  }
0x85: {  	[tilespmem:s16], [sflag:$0x1] =	stream.indirect_vreg.gather [hbm4b:s3+s1], $0x80, v4, vm0, $0xb8;
	[tilespmem:$0x8080] =	vst v63  }
0x86: {  	_ = 	snop  }
0x87: {  	[tilespmem:s17], [sflag:$0x1] =	stream.indirect_vreg.gather [hbm4b:s3+s1], $0x80, v3, vm0, $0xb8;
	[tilespmem:$0x8080] =	vst v63  }
0x88: {  	v3 =	vld [tilespmem:$0x20];
	_ =	sdelay $0x4  }
0x89: {  	v42 =	vshll.u32 v3, $0x1  }
0x8a: {  	v3 =	vand.u32 $0x7, v3;
	v4 =	vand.u32 $0xFFFFFFF0, v42  }
0x8b: {  	v3 =	vor.u32 v3, v4  }
0x8c: {  	v4 =	vperm.xlane v3, v0;
	_ =	sdelay $0x1  }
0x8d: {  	v3 =	vperm.xlane v3, v2;
	v4 =	vadd.s32 v1, v4;
	_ =	sdelay $0x1  }
0x8e: {  	v3 =	vadd.s32 v1, v3;
	_ =	sdelay $0x2  }
0x8f: {  	[tilespmem:s18], [sflag:$0x1] =	stream.indirect_vreg.gather [hbm4b:s3+s1], $0x80, v4, vm0, $0xb8;
	[tilespmem:$0x8080] =	vst v63  }
0x90: {  	_ = 	snop  }
0x91: {  	[tilespmem:s19], [sflag:$0x1] =	stream.indirect_vreg.gather [hbm4b:s3+s1], $0x80, v3, vm0, $0xb8;
	[tilespmem:$0x8080] =	vst v63  }
0x92: {  	v3 =	vld [tilespmem:$0x30];
	_ =	sdelay $0x4  }
0x93: {  	v43 =	vshll.u32 v3, $0x1  }
0x94: {  	v3 =	vand.u32 $0x7, v3;
	v4 =	vand.u32 $0xFFFFFFF0, v43  }
0x95: {  	v3 =	vor.u32 v3, v4  }
0x96: {  	v4 =	vperm.xlane v3, v0;
	_ =	sdelay $0x1  }
0x97: {  	v3 =	vperm.xlane v3, v2;
	v4 =	vadd.s32 v1, v4;
	_ =	sdelay $0x1  }
0x98: {  	v3 =	vadd.s32 v1, v3;
	_ =	sdelay $0x2  }
0x99: {  	[tilespmem:s20], [sflag:$0x1] =	stream.indirect_vreg.gather [hbm4b:s3+s1], $0x80, v4, vm0, $0xb8;
	[tilespmem:$0x8080] =	vst v63  }
0x9a: {  	_ = 	snop  }
0x9b: {  	[tilespmem:s21], [sflag:$0x1] =	stream.indirect_vreg.gather [hbm4b:s3+s1], $0x80, v3, vm0, $0xb8;
	[tilespmem:$0x8080] =	vst v63  }
0x9c: {  	v3 =	vld [tilespmem:$0x40];
	_ =	sdelay $0x4  }
0x9d: {  	v44 =	vshll.u32 v3, $0x1  }
0x9e: {  	v3 =	vand.u32 $0x7, v3;
	v4 =	vand.u32 $0xFFFFFFF0, v44  }
0x9f: {  	v3 =	vor.u32 v3, v4  }
0xa0: {  	v4 =	vperm.xlane v3, v0;
	_ =	sdelay $0x1  }
0xa1: {  	v3 =	vperm.xlane v3, v2;
	v4 =	vadd.s32 v1, v4;
	_ =	sdelay $0x1  }
0xa2: {  	v3 =	vadd.s32 v1, v3;
	_ =	sdelay $0x2  }
0xa3: {  	[tilespmem:s22], [sflag:$0x1] =	stream.indirect_vreg.gather [hbm4b:s3+s1], $0x80, v4, vm0, $0xb8;
	[tilespmem:$0x8080] =	vst v63  }
0xa4: {  	_ = 	snop  }
0xa5: {  	[tilespmem:s23], [sflag:$0x1] =	stream.indirect_vreg.gather [hbm4b:s3+s1], $0x80, v3, vm0, $0xb8;
	[tilespmem:$0x8080] =	vst v63  }
0xa6: {  	v3 =	vld [tilespmem:$0x50];
	_ =	sdelay $0x4  }
0xa7: {  	v45 =	vshll.u32 v3, $0x1  }
0xa8: {  	v3 =	vand.u32 $0x7, v3;
	v4 =	vand.u32 $0xFFFFFFF0, v45  }
0xa9: {  	v3 =	vor.u32 v3, v4  }
0xaa: {  	v4 =	vperm.xlane v3, v0;
	_ =	sdelay $0x1  }
0xab: {  	v3 =	vperm.xlane v3, v2;
	v4 =	vadd.s32 v1, v4;
	_ =	sdelay $0x1  }
0xac: {  	v3 =	vadd.s32 v1, v3;
	_ =	sdelay $0x2  }
0xad: {  	[tilespmem:s24], [sflag:$0x1] =	stream.indirect_vreg.gather [hbm4b:s3+s1], $0x80, v4, vm0, $0xb8;
	[tilespmem:$0x8080] =	vst v63  }
0xae: {  	_ = 	snop  }
0xaf: {  	[tilespmem:s25], [sflag:$0x1] =	stream.indirect_vreg.gather [hbm4b:s3+s1], $0x80, v3, vm0, $0xb8;
	[tilespmem:$0x8080] =	vst v63  }
0xb0: {  	v3 =	vld [tilespmem:$0x60];
	_ =	sdelay $0x4  }
0xb1: {  	v46 =	vshll.u32 v3, $0x1  }
0xb2: {  	v3 =	vand.u32 $0x7, v3;
	v4 =	vand.u32 $0xFFFFFFF0, v46  }
0xb3: {  	v3 =	vor.u32 v3, v4  }
0xb4: {  	v4 =	vperm.xlane v3, v0;
	_ =	sdelay $0x1  }
0xb5: {  	v3 =	vperm.xlane v3, v2;
	v4 =	vadd.s32 v1, v4;
	_ =	sdelay $0x1  }
0xb6: {  	v3 =	vadd.s32 v1, v3;
	_ =	sdelay $0x2  }
0xb7: {  	[tilespmem:s26], [sflag:$0x1] =	stream.indirect_vreg.gather [hbm4b:s3+s1], $0x80, v4, vm0, $0xb8;
	[tilespmem:$0x8080] =	vst v63  }
0xb8: {  	_ = 	snop  }
0xb9: {  	[tilespmem:s28], [sflag:$0x1] =	stream.indirect_vreg.gather [hbm4b:s3+s1], $0x80, v3, vm0, $0xb8;
	[tilespmem:$0x8080] =	vst v63  }
0xba: {  	v3 =	vld [tilespmem:$0x70];
	_ =	sdelay $0x4  }
0xbb: {  	v47 =	vshll.u32 v3, $0x1  }
0xbc: {  	v3 =	vand.u32 $0x7, v3;
	v4 =	vand.u32 $0xFFFFFFF0, v47  }
0xbd: {  	v3 =	vor.u32 v3, v4  }
0xbe: {  	v4 =	vperm.xlane v3, v0;
	_ =	sdelay $0x1  }
0xbf: {  	v3 =	vperm.xlane v3, v2;
	v4 =	vadd.s32 v1, v4;
	_ =	sdelay $0x1  }
0xc0: {  	v3 =	vadd.s32 v1, v3;
	_ =	sdelay $0x2  }
0xc1: {  	[tilespmem:s29], [sflag:$0x1] =	stream.indirect_vreg.gather [hbm4b:s3+s1], $0x80, v4, vm0, $0xb8;
	[tilespmem:$0x8080] =	vst v63  }
0xc2: {  	_ = 	snop  }
0xc3: {  	[tilespmem:s30], [sflag:$0x1] =	stream.indirect_vreg.gather [hbm4b:s3+s1], $0x80, v3, vm0, $0xb8;
	[tilespmem:$0x8080] =	vst v63  }
0xc4: {  	_ =	swait.ge [sflag:s31], $0x8000  }
0xc5: {  	[sflag:s31] =	ssyncset.done $0x0  }
0xc6: {  	[sflag:s31] =	ssyncadd.s32 $0xFFFF8000  }
0xc7: {  	[hbm4b:s7+s1] =	stream.linear.scatter [tilespmem:s14], [sflag:$0x2], $0x8000, $0x38;
	[tilespmem:$0x8080] =	vst v63  }
0xc8: {  	_ =	swait.ge [sflag:s13], $0x8000  }
0xc9: {  	[sflag:s13] =	ssyncset.done $0x0  }
0xca: {  	[sflag:s13] =	ssyncadd.s32 $0xFFFF8000  }
0xcb: {  	[tilespmem:s1], [sflag:$0x2] =	stream.linear.gather [hbm4b:s8+s1], $0x80, $0x38;
	[tilespmem:$0x8080] =	vst v63  }
0xcc: {  	_ =	swait.ge [sflag:s13], $0x80  }
0xcd: {  	[sflag:s13] =	ssyncset.done $0x0  }
0xce: {  	[sflag:s13] =	ssyncadd.s32 $0xFFFFFF80  }
0xcf: {  	v3 =	vld [tilespmem:$0x0];
	_ =	sdelay $0x4  }
0xd0: {  	v48 =	vshll.u32 v3, $0x1  }
0xd1: {  	v3 =	vand.u32 $0x7, v3;
	v4 =	vand.u32 $0xFFFFFFF0, v48  }
0xd2: {  	v3 =	vor.u32 v3, v4  }
0xd3: {  	v4 =	vperm.xlane v3, v0;
	_ =	sdelay $0x1  }
0xd4: {  	v3 =	vperm.xlane v3, v2;
	v4 =	vadd.s32 v1, v4;
	_ =	sdelay $0x1  }
0xd5: {  	v3 =	vadd.s32 v1, v3;
	_ =	sdelay $0x2  }
0xd6: {  	[tilespmem:s14], [sflag:$0x1] =	stream.indirect_vreg.gather [hbm4b:s3+s1], $0x80, v4, vm0, $0xb8;
	[tilespmem:$0x8080] =	vst v63  }
0xd7: {  	_ = 	snop  }
0xd8: {  	[tilespmem:s15], [sflag:$0x1] =	stream.indirect_vreg.gather [hbm4b:s3+s1], $0x80, v3, vm0, $0xb8;
	[tilespmem:$0x8080] =	vst v63  }
0xd9: {  	v3 =	vld [tilespmem:$0x10];
	_ =	sdelay $0x4  }
0xda: {  	v49 =	vshll.u32 v3, $0x1  }
0xdb: {  	v3 =	vand.u32 $0x7, v3;
	v4 =	vand.u32 $0xFFFFFFF0, v49  }
0xdc: {  	v3 =	vor.u32 v3, v4  }
0xdd: {  	v4 =	vperm.xlane v3, v0;
	_ =	sdelay $0x1  }
0xde: {  	v3 =	vperm.xlane v3, v2;
	v4 =	vadd.s32 v1, v4;
	_ =	sdelay $0x1  }
0xdf: {  	v3 =	vadd.s32 v1, v3;
	_ =	sdelay $0x2  }
0xe0: {  	[tilespmem:s16], [sflag:$0x1] =	stream.indirect_vreg.gather [hbm4b:s3+s1], $0x80, v4, vm0, $0xb8;
	[tilespmem:$0x8080] =	vst v63  }
0xe1: {  	_ = 	snop  }
0xe2: {  	[tilespmem:s17], [sflag:$0x1] =	stream.indirect_vreg.gather [hbm4b:s3+s1], $0x80, v3, vm0, $0xb8;
	[tilespmem:$0x8080] =	vst v63  }
0xe3: {  	v3 =	vld [tilespmem:$0x20];
	_ =	sdelay $0x4  }
0xe4: {  	v50 =	vshll.u32 v3, $0x1  }
0xe5: {  	v3 =	vand.u32 $0x7, v3;
	v4 =	vand.u32 $0xFFFFFFF0, v50  }
0xe6: {  	v3 =	vor.u32 v3, v4  }
0xe7: {  	v4 =	vperm.xlane v3, v0;
	_ =	sdelay $0x1  }
0xe8: {  	v3 =	vperm.xlane v3, v2;
	v4 =	vadd.s32 v1, v4;
	_ =	sdelay $0x1  }
0xe9: {  	v3 =	vadd.s32 v1, v3;
	_ =	sdelay $0x2  }
0xea: {  	[tilespmem:s18], [sflag:$0x1] =	stream.indirect_vreg.gather [hbm4b:s3+s1], $0x80, v4, vm0, $0xb8;
	[tilespmem:$0x8080] =	vst v63  }
0xeb: {  	_ = 	snop  }
0xec: {  	[tilespmem:s19], [sflag:$0x1] =	stream.indirect_vreg.gather [hbm4b:s3+s1], $0x80, v3, vm0, $0xb8;
	[tilespmem:$0x8080] =	vst v63  }
0xed: {  	v3 =	vld [tilespmem:$0x30];
	_ =	sdelay $0x4  }
0xee: {  	v51 =	vshll.u32 v3, $0x1  }
0xef: {  	v3 =	vand.u32 $0x7, v3;
	v4 =	vand.u32 $0xFFFFFFF0, v51  }
0xf0: {  	v3 =	vor.u32 v3, v4  }
0xf1: {  	v4 =	vperm.xlane v3, v0;
	_ =	sdelay $0x1  }
0xf2: {  	v3 =	vperm.xlane v3, v2;
	v4 =	vadd.s32 v1, v4;
	_ =	sdelay $0x1  }
0xf3: {  	v3 =	vadd.s32 v1, v3;
	_ =	sdelay $0x2  }
0xf4: {  	[tilespmem:s20], [sflag:$0x1] =	stream.indirect_vreg.gather [hbm4b:s3+s1], $0x80, v4, vm0, $0xb8;
	[tilespmem:$0x8080] =	vst v63  }
0xf5: {  	_ = 	snop  }
0xf6: {  	[tilespmem:s21], [sflag:$0x1] =	stream.indirect_vreg.gather [hbm4b:s3+s1], $0x80, v3, vm0, $0xb8;
	[tilespmem:$0x8080] =	vst v63  }
0xf7: {  	v3 =	vld [tilespmem:$0x40];
	_ =	sdelay $0x4  }
0xf8: {  	v52 =	vshll.u32 v3, $0x1  }
0xf9: {  	v3 =	vand.u32 $0x7, v3;
	v4 =	vand.u32 $0xFFFFFFF0, v52  }
0xfa: {  	v3 =	vor.u32 v3, v4  }
0xfb: {  	v4 =	vperm.xlane v3, v0;
	_ =	sdelay $0x1  }
0xfc: {  	v3 =	vperm.xlane v3, v2;
	v4 =	vadd.s32 v1, v4;
	_ =	sdelay $0x1  }
0xfd: {  	v3 =	vadd.s32 v1, v3;
	_ =	sdelay $0x2  }
0xfe: {  	[tilespmem:s22], [sflag:$0x1] =	stream.indirect_vreg.gather [hbm4b:s3+s1], $0x80, v4, vm0, $0xb8;
	[tilespmem:$0x8080] =	vst v63  }
0xff: {  	_ = 	snop  }
0x100: {  	[tilespmem:s23], [sflag:$0x1] =	stream.indirect_vreg.gather [hbm4b:s3+s1], $0x80, v3, vm0, $0xb8;
	[tilespmem:$0x8080] =	vst v63  }
0x101: {  	v3 =	vld [tilespmem:$0x50];
	_ =	sdelay $0x4  }
0x102: {  	v53 =	vshll.u32 v3, $0x1  }
0x103: {  	v3 =	vand.u32 $0x7, v3;
	v4 =	vand.u32 $0xFFFFFFF0, v53  }
0x104: {  	v3 =	vor.u32 v3, v4  }
0x105: {  	v4 =	vperm.xlane v3, v0;
	_ =	sdelay $0x1  }
0x106: {  	v3 =	vperm.xlane v3, v2;
	v4 =	vadd.s32 v1, v4;
	_ =	sdelay $0x1  }
0x107: {  	v3 =	vadd.s32 v1, v3;
	_ =	sdelay $0x2  }
0x108: {  	[tilespmem:s24], [sflag:$0x1] =	stream.indirect_vreg.gather [hbm4b:s3+s1], $0x80, v4, vm0, $0xb8;
	[tilespmem:$0x8080] =	vst v63  }
0x109: {  	_ = 	snop  }
0x10a: {  	[tilespmem:s25], [sflag:$0x1] =	stream.indirect_vreg.gather [hbm4b:s3+s1], $0x80, v3, vm0, $0xb8;
	[tilespmem:$0x8080] =	vst v63  }
0x10b: {  	v3 =	vld [tilespmem:$0x60];
	_ =	sdelay $0x4  }
0x10c: {  	v54 =	vshll.u32 v3, $0x1  }
0x10d: {  	v3 =	vand.u32 $0x7, v3;
	v4 =	vand.u32 $0xFFFFFFF0, v54  }
0x10e: {  	v3 =	vor.u32 v3, v4  }
0x10f: {  	v4 =	vperm.xlane v3, v0;
	_ =	sdelay $0x1  }
0x110: {  	v3 =	vperm.xlane v3, v2;
	v4 =	vadd.s32 v1, v4;
	_ =	sdelay $0x1  }
0x111: {  	v3 =	vadd.s32 v1, v3;
	_ =	sdelay $0x2  }
0x112: {  	[tilespmem:s26], [sflag:$0x1] =	stream.indirect_vreg.gather [hbm4b:s3+s1], $0x80, v4, vm0, $0xb8;
	[tilespmem:$0x8080] =	vst v63  }
0x113: {  	_ = 	snop  }
0x114: {  	[tilespmem:s28], [sflag:$0x1] =	stream.indirect_vreg.gather [hbm4b:s3+s1], $0x80, v3, vm0, $0xb8;
	[tilespmem:$0x8080] =	vst v63  }
0x115: {  	v3 =	vld [tilespmem:$0x70];
	_ =	sdelay $0x4  }
0x116: {  	v55 =	vshll.u32 v3, $0x1  }
0x117: {  	v3 =	vand.u32 $0x7, v3;
	v4 =	vand.u32 $0xFFFFFFF0, v55  }
0x118: {  	v3 =	vor.u32 v3, v4  }
0x119: {  	v4 =	vperm.xlane v3, v0;
	_ =	sdelay $0x1  }
0x11a: {  	v3 =	vperm.xlane v3, v2;
	v4 =	vadd.s32 v1, v4;
	_ =	sdelay $0x1  }
0x11b: {  	v3 =	vadd.s32 v1, v3;
	_ =	sdelay $0x2  }
0x11c: {  	[tilespmem:s29], [sflag:$0x1] =	stream.indirect_vreg.gather [hbm4b:s3+s1], $0x80, v4, vm0, $0xb8;
	[tilespmem:$0x8080] =	vst v63  }
0x11d: {  	_ = 	snop  }
0x11e: {  	[tilespmem:s30], [sflag:$0x1] =	stream.indirect_vreg.gather [hbm4b:s3+s1], $0x80, v3, vm0, $0xb8;
	[tilespmem:$0x8080] =	vst v63  }
0x11f: {  	_ =	swait.ge [sflag:s31], $0x8000  }
0x120: {  	[sflag:s31] =	ssyncset.done $0x0  }
0x121: {  	[sflag:s31] =	ssyncadd.s32 $0xFFFF8000  }
0x122: {  	[hbm4b:s9+s1] =	stream.linear.scatter [tilespmem:s14], [sflag:$0x2], $0x8000, $0x38;
	[tilespmem:$0x8080] =	vst v63  }
0x123: {  	_ =	swait.ge [sflag:s13], $0x8000  }
0x124: {  	[sflag:s13] =	ssyncset.done $0x0  }
0x125: {  	[sflag:s13] =	ssyncadd.s32 $0xFFFF8000  }
0x126: {  	[tilespmem:s1], [sflag:$0x2] =	stream.linear.gather [hbm4b:s10+s1], $0x80, $0x38;
	[tilespmem:$0x8080] =	vst v63  }
0x127: {  	_ =	swait.ge [sflag:s13], $0x80  }
0x128: {  	[sflag:s13] =	ssyncset.done $0x0  }
0x129: {  	[sflag:s13] =	ssyncadd.s32 $0xFFFFFF80  }
0x12a: {  	v3 =	vld [tilespmem:$0x0];
	_ =	sdelay $0x4  }
0x12b: {  	v56 =	vshll.u32 v3, $0x1  }
0x12c: {  	v3 =	vand.u32 $0x7, v3;
	v4 =	vand.u32 $0xFFFFFFF0, v56  }
0x12d: {  	v3 =	vor.u32 v3, v4  }
0x12e: {  	v4 =	vperm.xlane v3, v0;
	_ =	sdelay $0x1  }
0x12f: {  	v3 =	vperm.xlane v3, v2;
	v4 =	vadd.s32 v1, v4;
	_ =	sdelay $0x1  }
0x130: {  	v3 =	vadd.s32 v1, v3;
	_ =	sdelay $0x2  }
0x131: {  	[tilespmem:s14], [sflag:$0x1] =	stream.indirect_vreg.gather [hbm4b:s3+s1], $0x80, v4, vm0, $0xb8;
	[tilespmem:$0x8080] =	vst v63  }
0x132: {  	_ = 	snop  }
0x133: {  	[tilespmem:s15], [sflag:$0x1] =	stream.indirect_vreg.gather [hbm4b:s3+s1], $0x80, v3, vm0, $0xb8;
	[tilespmem:$0x8080] =	vst v63  }
0x134: {  	v3 =	vld [tilespmem:$0x10];
	_ =	sdelay $0x4  }
0x135: {  	v57 =	vshll.u32 v3, $0x1  }
0x136: {  	v3 =	vand.u32 $0x7, v3;
	v4 =	vand.u32 $0xFFFFFFF0, v57  }
0x137: {  	v3 =	vor.u32 v3, v4  }
0x138: {  	v4 =	vperm.xlane v3, v0;
	_ =	sdelay $0x1  }
0x139: {  	v3 =	vperm.xlane v3, v2;
	v4 =	vadd.s32 v1, v4;
	_ =	sdelay $0x1  }
0x13a: {  	v3 =	vadd.s32 v1, v3;
	_ =	sdelay $0x2  }
0x13b: {  	[tilespmem:s16], [sflag:$0x1] =	stream.indirect_vreg.gather [hbm4b:s3+s1], $0x80, v4, vm0, $0xb8;
	[tilespmem:$0x8080] =	vst v63  }
0x13c: {  	_ = 	snop  }
0x13d: {  	[tilespmem:s17], [sflag:$0x1] =	stream.indirect_vreg.gather [hbm4b:s3+s1], $0x80, v3, vm0, $0xb8;
	[tilespmem:$0x8080] =	vst v63  }
0x13e: {  	v3 =	vld [tilespmem:$0x20];
	_ =	sdelay $0x4  }
0x13f: {  	v58 =	vshll.u32 v3, $0x1  }
0x140: {  	v3 =	vand.u32 $0x7, v3;
	v4 =	vand.u32 $0xFFFFFFF0, v58  }
0x141: {  	v3 =	vor.u32 v3, v4  }
0x142: {  	v4 =	vperm.xlane v3, v0;
	_ =	sdelay $0x1  }
0x143: {  	v3 =	vperm.xlane v3, v2;
	v4 =	vadd.s32 v1, v4;
	_ =	sdelay $0x1  }
0x144: {  	v3 =	vadd.s32 v1, v3;
	_ =	sdelay $0x2  }
0x145: {  	[tilespmem:s18], [sflag:$0x1] =	stream.indirect_vreg.gather [hbm4b:s3+s1], $0x80, v4, vm0, $0xb8;
	[tilespmem:$0x8080] =	vst v63  }
0x146: {  	_ = 	snop  }
0x147: {  	[tilespmem:s19], [sflag:$0x1] =	stream.indirect_vreg.gather [hbm4b:s3+s1], $0x80, v3, vm0, $0xb8;
	[tilespmem:$0x8080] =	vst v63  }
0x148: {  	v3 =	vld [tilespmem:$0x30];
	_ =	sdelay $0x4  }
0x149: {  	v59 =	vshll.u32 v3, $0x1  }
0x14a: {  	v3 =	vand.u32 $0x7, v3;
	v4 =	vand.u32 $0xFFFFFFF0, v59  }
0x14b: {  	v3 =	vor.u32 v3, v4  }
0x14c: {  	v4 =	vperm.xlane v3, v0;
	_ =	sdelay $0x1  }
0x14d: {  	v3 =	vperm.xlane v3, v2;
	v4 =	vadd.s32 v1, v4;
	_ =	sdelay $0x1  }
0x14e: {  	v3 =	vadd.s32 v1, v3;
	_ =	sdelay $0x2  }
0x14f: {  	[tilespmem:s20], [sflag:$0x1] =	stream.indirect_vreg.gather [hbm4b:s3+s1], $0x80, v4, vm0, $0xb8;
	[tilespmem:$0x8080] =	vst v63  }
0x150: {  	_ = 	snop  }
0x151: {  	[tilespmem:s21], [sflag:$0x1] =	stream.indirect_vreg.gather [hbm4b:s3+s1], $0x80, v3, vm0, $0xb8;
	[tilespmem:$0x8080] =	vst v63  }
0x152: {  	v3 =	vld [tilespmem:$0x40];
	_ =	sdelay $0x4  }
0x153: {  	v60 =	vshll.u32 v3, $0x1  }
0x154: {  	v3 =	vand.u32 $0x7, v3;
	v4 =	vand.u32 $0xFFFFFFF0, v60  }
0x155: {  	v3 =	vor.u32 v3, v4  }
0x156: {  	v4 =	vperm.xlane v3, v0;
	_ =	sdelay $0x1  }
0x157: {  	v3 =	vperm.xlane v3, v2;
	v4 =	vadd.s32 v1, v4;
	_ =	sdelay $0x1  }
0x158: {  	v3 =	vadd.s32 v1, v3;
	_ =	sdelay $0x2  }
0x159: {  	[tilespmem:s22], [sflag:$0x1] =	stream.indirect_vreg.gather [hbm4b:s3+s1], $0x80, v4, vm0, $0xb8;
	[tilespmem:$0x8080] =	vst v63  }
0x15a: {  	_ = 	snop  }
0x15b: {  	[tilespmem:s23], [sflag:$0x1] =	stream.indirect_vreg.gather [hbm4b:s3+s1], $0x80, v3, vm0, $0xb8;
	[tilespmem:$0x8080] =	vst v63  }
0x15c: {  	v3 =	vld [tilespmem:$0x50];
	_ =	sdelay $0x4  }
0x15d: {  	v61 =	vshll.u32 v3, $0x1  }
0x15e: {  	v3 =	vand.u32 $0x7, v3;
	v4 =	vand.u32 $0xFFFFFFF0, v61  }
0x15f: {  	v3 =	vor.u32 v3, v4  }
0x160: {  	v4 =	vperm.xlane v3, v0;
	_ =	sdelay $0x1  }
0x161: {  	v3 =	vperm.xlane v3, v2;
	v4 =	vadd.s32 v1, v4;
	_ =	sdelay $0x1  }
0x162: {  	v3 =	vadd.s32 v1, v3;
	_ =	sdelay $0x2  }
0x163: {  	[tilespmem:s24], [sflag:$0x1] =	stream.indirect_vreg.gather [hbm4b:s3+s1], $0x80, v4, vm0, $0xb8;
	[tilespmem:$0x8080] =	vst v63  }
0x164: {  	_ = 	snop  }
0x165: {  	[tilespmem:s25], [sflag:$0x1] =	stream.indirect_vreg.gather [hbm4b:s3+s1], $0x80, v3, vm0, $0xb8;
	[tilespmem:$0x8080] =	vst v63  }
0x166: {  	v3 =	vld [tilespmem:$0x60];
	_ =	sdelay $0x4  }
0x167: {  	v62 =	vshll.u32 v3, $0x1  }
0x168: {  	v3 =	vand.u32 $0x7, v3;
	v4 =	vand.u32 $0xFFFFFFF0, v62  }
0x169: {  	v3 =	vor.u32 v3, v4  }
0x16a: {  	v4 =	vperm.xlane v3, v0;
	_ =	sdelay $0x1  }
0x16b: {  	v3 =	vperm.xlane v3, v2;
	v4 =	vadd.s32 v1, v4;
	_ =	sdelay $0x1  }
0x16c: {  	v3 =	vadd.s32 v1, v3;
	_ =	sdelay $0x2  }
0x16d: {  	[tilespmem:s26], [sflag:$0x1] =	stream.indirect_vreg.gather [hbm4b:s3+s1], $0x80, v4, vm0, $0xb8;
	[tilespmem:$0x8080] =	vst v63  }
0x16e: {  	_ = 	snop  }
0x16f: {  	[tilespmem:s28], [sflag:$0x1] =	stream.indirect_vreg.gather [hbm4b:s3+s1], $0x80, v3, vm0, $0xb8;
	[tilespmem:$0x8080] =	vst v63  }
0x170: {  	v3 =	vld [tilespmem:$0x70];
	_ =	sdelay $0x4  }
0x171: {  	v63 =	vshll.u32 v3, $0x1  }
0x172: {  	v3 =	vand.u32 $0x7, v3;
	v4 =	vand.u32 $0xFFFFFFF0, v63  }
0x173: {  	v3 =	vor.u32 v3, v4  }
0x174: {  	v4 =	vperm.xlane v3, v0;
	_ =	sdelay $0x1  }
0x175: {  	v3 =	vperm.xlane v3, v2;
	v4 =	vadd.s32 v1, v4;
	_ =	sdelay $0x1  }
0x176: {  	v3 =	vadd.s32 v1, v3;
	_ =	sdelay $0x2  }
0x177: {  	[tilespmem:s29], [sflag:$0x1] =	stream.indirect_vreg.gather [hbm4b:s3+s1], $0x80, v4, vm0, $0xb8;
	[tilespmem:$0x8080] =	vst v63  }
0x178: {  	_ = 	snop  }
0x179: {  	[tilespmem:s30], [sflag:$0x1] =	stream.indirect_vreg.gather [hbm4b:s3+s1], $0x80, v3, vm0, $0xb8;
	[tilespmem:$0x8080] =	vst v63  }
0x17a: {  	_ =	swait.ge [sflag:s31], $0x8000  }
0x17b: {  	p0 =	sne.s32 s12, $0x1;
	[sflag:s31] =	ssyncset.done $0x0  }
.Ltmp0:
0x17c: {  	[sflag:s31] =	ssyncadd.s32 $0xFFFF8000;
	(pc) =	sbr.rel @p0 .LBB2_1-.Ltmp0, $4  }
0x17d: {  	[hbm4b:s11+s1] =	stream.linear.scatter [tilespmem:s14], [sflag:$0x2], $0x8000, $0x38;
	[tilespmem:$0x8080] =	vst v63  }
0x17e: {  	_ =	swait.ge [sflag:s13], $0x8000  }
0x17f: {  	[sflag:s13] =	ssyncset.done $0x0  }
0x180: {  	s12 =	sadd.s32 $0xFFFFFFFF, s12;
	[sflag:s13] =	ssyncadd.s32 $0xFFFF8000  }
0x181: {  	_ =	sfence.sel $0x180000  }
0x182: {  	[bflag:$0x0] =	sbarrier.arrive $0xFFFF  }
0x183: {  	p0 =	sne.s32 s2, $0x0;
	_ =	strace $0x90000047  }
0x184: {  	s0 =	sadd.s32 @!p0 $0x100000, s0;
	[bflag:$0x2] =	sbarrier.arrive $0xFFFF  }
0x185: {  	[sflag:s0] =	ssyncadd.tile.s32 @!p0 $0x1;
	_ =	shalt  }
.Lfunc_end2:
_tile_overlayer_lowered:
.L_overlay_start_2:
0x186: {  	(tag) =	ssettag $0x2  }
0x187: {  	s0 =	rddreg [dreg:$0x0];
	s2 =	stileid.u32  }
0x188: {  	s1 =	rddreg [dreg:$0x1];
	p0 =	sne.s32 s2, $0x0  }
0x189: {  	s3 =	rddreg [dreg:$0x2];
	[bflag:$0x3] =	sbarrier.arrive $0xFFFF;
	s2 =	simm.s32 @!p0 $0x1C02  }
0x18a: {  	[timem:s3], [sflag:s2] =	dma.local @!p0 [hbm:s0], s1  }
0x18b: {  	s0 =	simm.s32 @!p0 $0x2  }
0x18c: {  	_ =	swait.ge @!p0 [sflag:s0], s1  }
0x18d: {  	s1 =	ssub.s32 @!p0 $0x0, s1;
	[sflag:s0] =	ssyncset.done @!p0 $0x0  }
0x18e: {  	[sflag:s0] =	ssyncadd.s32 @!p0 s1  }
0x18f: {  	[bflag:$0x3] =	sbarrier.arrive $0xFFFF  }
0x190: {  	_ =	shalt  }

// kernel: sparse-core-data-format-call.cloned.1.call-start
scs
called_computation_lowered:
.L_overlay_start_0:
0x0: {  	s2 =	sld [smem:$0x3FD9]  }
0x1: {  	s3 =	sld [smem:$0x3FFE];
	_ =	sdelay $0x1  }
0x2: {  	s1 =	srdreg.scid  }
0x3: {  	s0 =	sand.u32 $0x1, s1  }
0x4: {  	s18 =	sshll.u32 s0, $0xA;
	s2 =	sadd.s32 s3, s2  }
0x5: {  	s2 =	sadd.s32 s2, s18  }
0x6: {  	[smem:$0x3FB9] =	sst s2  }
0x7: {  	_ = 	snop  }
0x8: {  	(tm) =	ssettm $0x1  }
0x9: {  	s19 =	sld [smem:$0x3FFB];
	_ =	sdelay $0x3  }
0xa: {  	_ =	strace s19  }
0xb: {  	s2 =	sld [smem:$0x3FFC];
	_ =	sdelay $0x3  }
0xc: {  	_ =	strace s2  }
0xd: {  	s2 =	sld [smem:$0x3FFD];
	_ =	sdelay $0x3  }
0xe: {  	_ =	strace s2  }
0xf: {  	_ =	strace $0x8FFFFFFF  }
0x10: {  	s20 =	sld [smem:$0x3FDB];
	_ =	sdelay $0x1  }
0x11: {  	s21 =	simm.s32 $_scs_section_size  }
0x12: {  	s4 =	simm.s32 $_size__tile_overlayer_lowered;
	s5 =	simm.s32 $_tile_overlayer_lowered  }
0x13: {  	s6 =	simm.s32 $0x1BFF;
	s22 =	sshll.u32 s5, $0x1;
	s3 =	sadd.s32 s21, s20  }
0x14: {  	s23 =	simm.s32 $0x0;
	s4 =	sshll.u32 s4, $0x1;
	s5 =	sadd.s32 s22, s3  }
0x15: {  	[timem:s23], [sflag:s6] =	dma.local [hbm:s5], s4  }
0x16: {  	_ =	swait.ge [sflag:s6], s4  }
0x17: {  	s4 =	ssub.s32 $0x0, s4;
	[sflag:s6] =	ssyncset.done $0x0  }
0x18: {  	[sflag:s6] =	ssyncadd.s32 s4;
	_ =	sdelay $0x1  }
0x19: {  	s24 =	simm.s32 $0x1B8B  }
0x1a: {  	_ =	swait.ge [sflag:s24], $0x1  }
0x1b: {  	[sflag:s24] =	ssyncset.done $0x0  }
0x1c: {  	[sflag:s24] =	ssyncadd.s32 $0xFFFFFFFF  }
0x1d: {  	s4 =	sld [smem:$0x0]  }
0x1e: {  	s5 =	sand.u32 $0xFFFFFFFE, s1  }
0x1f: {  	p0 =	sne.s32 s1, s5  }
0x20: {  	s5 =	sshll.u32 @p0 s5, $0xE  }
0x21: {  	s5 =	sadd.s32 @p0 $0x11B8D, s5;
	s6 =	sshll.u32 @p0 s4, $0x11  }
0x22: {  	s5 =	sor.u32 @p0 s6, s5  }
0x23: {  	[sflag:s5] =	ssyncadd.remote.s32 @p0 $0x1;
	_ =	sdelay $0x1  }
0x24: {  	s5 =	simm.s32 @p0 $0x1B8D  }
0x25: {  	_ =	swait.eq @p0 [sflag:s5], $0x1  }
0x26: {  	[sflag:s5] =	ssyncadd.s32 @p0 $0xFFFFFFFF  }
0x27: {  	s6 =	sshll.u32 @!p0 s1, $0xE  }
0x28: {  	s6 =	sor.u32 @!p0 $0x4000, s6;
	s5 =	simm.s32 @!p0 $0x1B8D  }
0x29: {  	s4 =	sshll.u32 @!p0 s4, $0x11;
	s6 =	sadd.s32 @!p0 $0x11B8D, s6;
	_ =	swait.eq @!p0 [sflag:s5], $0x1  }
0x2a: {  	s4 =	sor.u32 @!p0 s4, s6;
	[sflag:s5] =	ssyncadd.s32 @!p0 $0xFFFFFFFF  }
0x2b: {  	s26 =	simm.s32 $0x1B8E;
	s25 =	sld [smem:$0x3FFE];
	[sflag:s4] =	ssyncadd.remote.s32 @!p0 $0x1  }
0x2c: {  	s27 =	simm.s32 $execute0_lowered;
	[smem:$0x3FD2] =	sst s26  }
0x2d: {  	s5 =	sshll.u32 s27, $0x1;
	_ =	strace $0x80000049;
	[dreg:$0x1] =	wrdreg $0xFFFFFFFF  }
0x2e: {  	s28 =	simm.s32 $_size_execute0_lowered;
	s3 =	sadd.s32 s3, s5;
	[dreg:$0x0] =	wrdreg $0x0  }
0x2f: {  	s5 =	sshll.u32 s28, $0x1;
	[dreg:$0x2] =	wrdreg s3  }
0x30: {  	[dreg:$0x3] =	wrdreg s5  }
0x31: {  	[dreg:$0x4] =	wrdreg $0xC0  }
0x32: {  	_ =	task [dreg:s23], $0x5FFFF  }
0x33: {  	[dreg:$0x1] =	wrdreg $0xFFFFFFFF  }
0x34: {  	[dreg:$0x0] =	wrdreg $0x60  }
0x35: {  	[dreg:$0x2] =	wrdreg s25  }
0x36: {  	[dreg:$0x3] =	wrdreg $0x9  }
0x37: {  	_ =	task.clear_ibuf [dreg:s23], $0x4FFFF;
	_ =	strace $0x90000049  }
0x38: {  	s29 =	simm.s32 $0x9;
	_ =	strace $0x8000004B  }
0x39: {  	_ =	swait.ge [sflag:s29], $0x1  }
0x3a: {  	[sflag:s29] =	ssyncadd.s32 $0xFFFFFFFF  }
0x3b: {  	_ =	strace $0x9000004B  }
0x3c: {  	_ =	sfence  }
0x3d: {  	s30 =	sld [smem:$0x0];
	_ =	sdelay $0x2  }
0x3e: {  	s31 =	sshll.u32 s1, $0xD;
	s1 =	sshrl.u32 s1, $0x2  }
0x3f: {  	s4 =	sand.u32 $0x4000, s31;
	s1 =	sadd.s32 s1, s30  }
0x40: {  	s0 =	sor.u32 s4, s0;
	s1 =	sshll.u32 s1, $0x11  }
0x41: {  	s0 =	sor.u32 s1, s0  }
0x42: {  	s0 =	sadd.s32 $0x8F2B, s0  }
0x43: {  	[sflag:s0] =	ssyncadd.remote.s32 $0x1  }
0x44: {  	_ =	sfence.sel $0xFFFF  }
0x45: {  	[dreg:$0x0] =	wrdreg $0xFFFFFFFF;
	(pc) =	sbr.abs _section_cstart, $3  }
0x46: {  	[dreg:$0x1] =	wrdreg $0xFFFFFFFF  }
0x47: {  	_ =	task.clear_ibuf [dreg:s23], $0x2FFFF;
	_ =	strace $0x9FFFFFFF  }
0x48: {  	(tm) =	ssettm $0x7FFFFFFF  }
0x49: {  	_ =	shalt  }
tec
execute0_lowered:
.L_overlay_start_1:
0x0: {  	(tag) =	ssettag $0x1  }
0x1: {  	s0 =	stileid.u32  }
0x2: {  	s1 =	srdreg.scid;
	s8 =	rddreg [dreg:$0x0];
	s31 =	simm.s32 $0x2  }
0x3: {  	s17 =	simm.s32 $0x0;
	s10 =	simm.s32 $0x400;
	s11 =	simm.s32 $0x2000  }
0x4: {  	s2 =	sshll.u32 s0, $0x7;
	s3 =	sshll.u32 s0, $0x5;
	s4 =	sshll.u32 s1, $0x9  }
0x5: {  	s27 =	sshrl.u32 s0, $0x1;
	s1 =	sand.u32 $0x80, s2;
	s25 =	sor.u32 s3, s4  }
0x6: {  	s3 =	sand.u32 $0x1, s27;
	s26 =	ssub.s32 $0x100, s1;
	s2 =	sand.u32 $0x380, s25  }
0x7: {  	s30 =	ssub.s32 $0x4, s3;
	s5 =	sshrl.u32 s26, $0x7;
	s7 =	ssub.s32 $0x400, s2  }
0x8: {  	s6 =	sshrl.u32 s26, $0x8;
	s5 =	sand.u32 $0x1, s5;
	s29 =	sand.u32 $0x380, s7  }
0x9: {  	s28 =	sadd.s32 s6, s5;
	p0 =	sne.s32 s29, $0x0;
	s5 =	simm.s32 $0x1  }
0xa: {  	s7 =	sshrl.u32 s7, $0xA;
	s5 =	simm.s32 @!p0 $0x0;
	s6 =	smul.u32 s28, s30  }
0xb: {  	s12 =	simm.s32 $0x0;
	s18 =	simm.s32 $0x0;
	s5 =	sadd.s32 s5, s7  }
0xc: {  	s20 =	simm.s32 $0x0;
	s19 =	simm.s32 $0x0;
	s6 =	smul.u32 s5, s6  }
.Ltmp0:
0xd: {  	s13 =	simm.s32 $0x0;
	s16 =	simm.s32 $0x0;
	(pc) =	sbr.rel .LBB1_1-.Ltmp0, $4  }
0xe: {  	s4 =	rddreg [dreg:$0x1];
	_ =	strace $0x8000004A;
	s14 =	smov.u32 s3  }
0xf: {  	s15 =	smov.u32 s1;
	s5 =	simm.s32 $0x1;
	s6 =	smul.u32 $0x7, s6  }
0x10: {  	s9 =	sadd.s32 s2, s8;
	s7 =	sadd.s32 $0x24A200, s8;
	[sflag:s5] =	ssyncpa.u1 $0x0  }
0x11: {  	s8 =	sadd.s32 $0x8A200, s9;
	[sflag:s31] =	ssyncpa.u1 $0x0;
	s9 =	sadd.s32 $0x1, s6  }
.LBB1_4:
0x12: {  	_ =	sdelay $0x3  }
0x13: {  	[tilespmem:v0+s23+$0xFFFFFFD0 ss:$0x1] =	vst.idx.msk $0xffff, v6  }
0x14: {  	v56 =	vld.idx.msk [tilespmem:v1+s22+$0x0 ss:$0x1], $0xffff;
	[tilespmem:v0+s23+$0xFFFFFFE0 ss:$0x1] =	vst.idx.msk $0xffff, v4  }
0x15: {  	v57 =	vld.idx.msk [tilespmem:v1+s22+$0xFFFFFF90 ss:$0x1], $0xffff;
	[tilespmem:v0+s23+$0xFFFFFFF0 ss:$0x1] =	vst.idx.msk $0xffff, v2  }
0x16: {  	v58 =	vld.idx.msk [tilespmem:v1+s22+$0xFFFFFFA0 ss:$0x1], $0xffff;
	[tilespmem:v0+s23+$0x0 ss:$0x1] =	vst.idx.msk $0xffff, v3  }
0x17: {  	v59 =	vld.idx.msk [tilespmem:v1+s22+$0xFFFFFFB0 ss:$0x1], $0xffff;
	[tilespmem:v0+s23+$0x10 ss:$0x1] =	vst.idx.msk $0xffff, v5  }
0x18: {  	v60 =	vld.idx.msk [tilespmem:v1+s22+$0xFFFFFFC0 ss:$0x1], $0xffff;
	[tilespmem:v0+s23+$0x20 ss:$0x1] =	vst.idx.msk $0xffff, v7  }
0x19: {  	v61 =	vld.idx.msk [tilespmem:v1+s22+$0xFFFFFFD0 ss:$0x1], $0xffff;
	[tilespmem:v0+s22+$0x30 ss:$0x1] =	vst.idx.msk $0xffff, v56  }
0x1a: {  	v62 =	vld.idx.msk [tilespmem:v1+s22+$0xFFFFFFE0 ss:$0x1], $0xffff;
	[tilespmem:v0+s22+$0xFFFFFFC0 ss:$0x1] =	vst.idx.msk $0xffff, v57  }
0x1b: {  	v63 =	vld.idx.msk [tilespmem:v1+s22+$0xFFFFFFF0 ss:$0x1], $0xffff;
	s20 =	smul.u32 $0x38000, s20;
	[tilespmem:v0+s22+$0xFFFFFFD0 ss:$0x1] =	vst.idx.msk $0xffff, v58  }
0x1c: {  	s30 =	sshll.u32 s19, $0x4;
	[tilespmem:v0+s22+$0xFFFFFFE0 ss:$0x1] =	vst.idx.msk $0xffff, v59  }
0x1d: {  	s31 =	sshll.u32 s19, $0x7;
	s23 =	sand.u32 $0x70, s30;
	s20 =	sadd.s32 s7, s20;
	[tilespmem:v0+s22+$0xFFFFFFF0 ss:$0x1] =	vst.idx.msk $0xffff, v60  }
0x1e: {  	s18 =	sshll.u32 s18, $0xF;
	s19 =	sand.u32 $0x7C00, s31;
	s20 =	sadd.s32 s23, s20;
	[tilespmem:v0+s22+$0x0 ss:$0x1] =	vst.idx.msk $0xffff, v61  }
0x1f: {  	s17 =	sor.u32 s17, s19;
	s18 =	sadd.s32 s18, s20;
	[tilespmem:v0+s22+$0x10 ss:$0x1] =	vst.idx.msk $0xffff, v62  }
0x20: {  	[tilespmem:v0+s22+$0x20 ss:$0x1] =	vst.idx.msk $0xffff, v63;
	s17 =	sadd.s32 s17, s18  }
0x21: {  	[hbm4b:s17+s10] =	stream.strided.scatter [tilespmem:s21], [sflag:$0x2], $0x4000, s11, s10, $0x38;
	[tilespmem:$0x10000] =	vst v63  }
.LBB1_5:
0x22: {  	s21 =	sadd.s32 $0x1, s13  }
0x23: {  	s17 =	sadd.s32 $0x2, s14;
	s22 =	smov.u32 s14;
	p1 =	sgt.s32 s21, $0x6  }
0x24: {  	s22 =	smov.u32 @p1 s17  }
0x25: {  	s18 =	sadd.s32 $0x100, s15;
	s23 =	smov.u32 s15;
	p2 =	sgt.s32 s22, $0x6  }
0x26: {  	s23 =	smov.u32 @p2 s18  }
0x27: {  	s21 =	simm.s32 @p1 $0x0;
	p1 =	sgt.s32 s23, $0xFF  }
0x28: {  	p0 =	slt.u32 s16, $0x2;
	s23 =	smov.u32 @p1 s1;
	p1 =	sne.s32 s16, s9  }
.Ltmp1:
0x29: {  	s20 =	smov.u32 s14;
	s17 =	simm.s32 @!p0 $0x2;
	(pc) =	sbr.rel @!p1 .LBB1_6-.Ltmp1, $4  }
0x2a: {  	s19 =	smov.u32 s15;
	s12 =	sadd.s32 $0x4000, s12;
	_ =	swait.ge @!p0 [sflag:s17], $0x4000  }
0x2b: {  	[sflag:s17] =	ssyncset.done @!p0 $0x0;
	s22 =	smov.u32 @p2 s3;
	s18 =	smov.u32 s13  }
0x2c: {  	s13 =	smov.u32 s21;
	[sflag:s17] =	ssyncadd.s32 @!p0 $0xFFFFC000;
	s17 =	smov.u32 s2  }
0x2d: {  	s14 =	smov.u32 s22;
	s16 =	sadd.s32 $0x1, s16;
	s15 =	smov.u32 s23  }
.LBB1_1:
0x2e: {  	p0 =	sge.u32 s16, s6  }
0x2f: {  	s22 =	smul.u32 @!p0 $0x1C00, s15  }
0x30: {  	s31 =	sadd.s32 $0xFFFFFFFF, s16;
	s21 =	sxor.u32 @!p0 $0xFFFFFFFF, s16;
	s23 =	sshll.u32 @!p0 s14, $0xA  }
0x31: {  	s24 =	sshll.u32 @!p0 s13, $0x4;
	s21 =	sshll.u32 @!p0 s21, $0xE;
	s22 =	sadd.s32 @!p0 s22, s8  }
0x32: {  	s24 =	sand.u32 @!p0 $0x70, s24;
	s21 =	sand.u32 @!p0 $0x4000, s21;
	s22 =	sadd.s32 @!p0 s23, s22  }
0x33: {  	s23 =	simm.s32 @!p0 $0x80;
	s22 =	sadd.s32 @!p0 s24, s22;
	s24 =	simm.s32 @!p0 $0xE000  }
0x34: {  	[tilespmem:s21], [sflag:$0x1] =	stream.strided.gather @!p0 [hbm4b:s22+s23], $0x4000, s24, s23, $0x38;
	[tilespmem:$0x10000] =	vst v63  }
0x35: {  	p0 =	sge.u32 s31, s6  }
.Ltmp2:
0x36: {  	_ = 	snop;
	(pc) =	sbr.rel @p0 .LBB1_5-.Ltmp2, $1  }
0x37: {  	_ =	sdelay $0x3  }
0x38: {  	s21 =	sand.u32 $0x4000, s12  }
0x39: {  	s22 =	sor.u32 $0x70, s21  }
0x3a: {  	v1 =	vmov s22;
	_ =	sdelay $0x1  }
0x3b: {  	_ =	swait.ge [sflag:s5], $0x4000  }
0x3c: {  	[sflag:s5] =	ssyncset.done $0x0  }
0x3d: {  	s23 =	simm.s32 $0x0;
	[sflag:s5] =	ssyncadd.s32 $0xFFFFC000  }
0x3e: {  	s21 =	sor.u32 $0x8040, s21;
	v7 =	vld.idx.msk [tilespmem:v1+s23+$0x0 ss:$0x1], $0xffff  }
0x3f: {  	v0 =	vmov s21;
	v8 =	vld.idx.msk [tilespmem:v1+s23+$0xFFFFFF90 ss:$0x1], $0xffff  }
0x40: {  	v6 =	vld.idx.msk [tilespmem:v1+s23+$0xFFFFFFA0 ss:$0x1], $0xffff  }
0x41: {  	v4 =	vld.idx.msk [tilespmem:v1+s23+$0xFFFFFFB0 ss:$0x1], $0xffff  }
0x42: {  	v2 =	vld.idx.msk [tilespmem:v1+s23+$0xFFFFFFC0 ss:$0x1], $0xffff  }
0x43: {  	s31 =	sshll.u32 s16, $0xE;
	v3 =	vld.idx.msk [tilespmem:v1+s23+$0xFFFFFFD0 ss:$0x1], $0xffff  }
0x44: {  	s21 =	sand.u32 $0x4000, s31;
	v5 =	vld.idx.msk [tilespmem:v1+s23+$0xFFFFFFE0 ss:$0x1], $0xffff;
	[tilespmem:v0+s23+$0x30 ss:$0x1] =	vst.idx.msk $0xffff, v7  }
0x45: {  	s24 =	simm.s32 $0x400;
	s22 =	simm.s32 $0x80;
	s21 =	sor.u32 $0x8000, s21;
	[tilespmem:v0+s23+$0xFFFFFFC0 ss:$0x1] =	vst.idx.msk $0xffff, v8;
	v7 =	vld.idx.msk [tilespmem:v1+s23+$0xFFFFFFF0 ss:$0x1], $0xffff  }
.LBB1_3:
0x46: {  	p0 =	sne.s32 s24, $0xFE00;
	v8 =	vld.idx.msk [tilespmem:v1+s22+$0x0 ss:$0x1], $0xffff;
	[tilespmem:v0+s23+$0xFFFFFFD0 ss:$0x1] =	vst.idx.msk $0xffff, v6  }
0x47: {  	v9 =	vld.idx.msk [tilespmem:v1+s22+$0xFFFFFF90 ss:$0x1], $0xffff;
	[tilespmem:v0+s23+$0xFFFFFFE0 ss:$0x1] =	vst.idx.msk $0xffff, v4  }
0x48: {  	v6 =	vld.idx.msk [tilespmem:v1+s22+$0xFFFFFFA0 ss:$0x1], $0xffff;
	[tilespmem:v0+s23+$0xFFFFFFF0 ss:$0x1] =	vst.idx.msk $0xffff, v2  }
.Ltmp3:
0x49: {  	v4 =	vld.idx.msk [tilespmem:v1+s22+$0xFFFFFFB0 ss:$0x1], $0xffff;
	[tilespmem:v0+s23+$0x0 ss:$0x1] =	vst.idx.msk $0xffff, v3;
	(pc) =	sbr.rel @p0 .LBB1_3-.Ltmp3, $4  }
0x4a: {  	v2 =	vld.idx.msk [tilespmem:v1+s22+$0xFFFFFFC0 ss:$0x1], $0xffff;
	[tilespmem:v0+s23+$0x10 ss:$0x1] =	vst.idx.msk $0xffff, v5  }
0x4b: {  	v3 =	vld.idx.msk [tilespmem:v1+s22+$0xFFFFFFD0 ss:$0x1], $0xffff;
	[tilespmem:v0+s23+$0x20 ss:$0x1] =	vst.idx.msk $0xffff, v7;
	s23 =	smov.u32 s22  }
0x4c: {  	v5 =	vld.idx.msk [tilespmem:v1+s23+$0xFFFFFFE0 ss:$0x1], $0xffff;
	[tilespmem:v0+s23+$0x30 ss:$0x1] =	vst.idx.msk $0xffff, v8  }
0x4d: {  	s22 =	sshra.s32 s24, $0x2;
	s24 =	sadd.s32 $0x200, s24;
	[tilespmem:v0+s23+$0xFFFFFFC0 ss:$0x1] =	vst.idx.msk $0xffff, v9;
	v7 =	vld.idx.msk [tilespmem:v1+s23+$0xFFFFFFF0 ss:$0x1], $0xffff  }
.Ltmp4:
0x4e: {  	_ = 	snop;
	(pc) =	sbr.rel .LBB1_4-.Ltmp4, $1  }
0x4f: {  	_ =	sdelay $0x3  }
.LBB1_6:
0x50: {  	_ =	sfence.sel $0x180000  }
0x51: {  	s1 =	simm.s32 $0x1;
	[bflag:$0x0] =	sbarrier.arrive $0xFFFF  }
0x52: {  	s31 =	simm.s32 $0x2;
	[sflag:s1] =	ssyncpa.u1 $0x1  }
0x53: {  	[sflag:s31] =	ssyncpa.u1 $0x1  }
0x54: {  	p0 =	sne.s32 s0, $0x0;
	_ =	strace $0x9000004A  }
0x55: {  	s0 =	sadd.s32 @!p0 $0x100000, s4;
	[bflag:$0x2] =	sbarrier.arrive $0xFFFF  }
0x56: {  	[sflag:s0] =	ssyncadd.tile.s32 @!p0 $0x1;
	_ =	shalt  }
.Lfunc_end1:
_tile_overlayer_lowered:
.L_overlay_start_2:
0x57: {  	(tag) =	ssettag $0x2  }
0x58: {  	s0 =	rddreg [dreg:$0x0];
	s2 =	stileid.u32  }
0x59: {  	s1 =	rddreg [dreg:$0x1];
	p0 =	sne.s32 s2, $0x0  }
0x5a: {  	s3 =	rddreg [dreg:$0x2];
	[bflag:$0x3] =	sbarrier.arrive $0xFFFF;
	s2 =	simm.s32 @!p0 $0x1C01  }
0x5b: {  	[timem:s3], [sflag:s2] =	dma.local @!p0 [hbm:s0], s1  }
0x5c: {  	s0 =	simm.s32 @!p0 $0x1  }
0x5d: {  	_ =	swait.ge @!p0 [sflag:s0], s1  }
0x5e: {  	s1 =	ssub.s32 @!p0 $0x0, s1;
	[sflag:s0] =	ssyncset.done @!p0 $0x0  }
0x5f: {  	[sflag:s0] =	ssyncadd.s32 @!p0 s1  }
0x60: {  	[bflag:$0x3] =	sbarrier.arrive $0xFFFF  }
0x61: {  	_ =	shalt  }

</sc_bundles>
